<compile_context>
chip_gen: v7x
topology: tpu7x:2x2x1
jax: 0.10.2.dev20260603
libtpu: 0.0.44.dev20260713+nightly
codegen_flags: <defaults>
</compile_context>

<pallas_src>
import functools

import jax
import jax.numpy as jnp
from jax import lax
from jax.experimental import pallas as pl
from jax.experimental.pallas import tpu as pltpu
from jax.experimental.pallas import tpu_sc as plsc

MIN_POS_K = 0.1
MAX_POS_K = 1000.0
N_POS_EMB_K = 512
N_HEADS_K = 12

NC = 2
NS = 16
NW = NC * NS
LANES = 16

ROWB = 8
COLB = 512
PADV = 520
NPAIR = N_HEADS_K // 2


def _idx_body(d_ref, idx_ref):
    mn_log = jnp.log10(jnp.float32(MIN_POS_K))
    mx_log = jnp.log10(jnp.float32(MAX_POS_K))
    t = jnp.clip(d_ref[...], MIN_POS_K, MAX_POS_K)
    t = jnp.log10(t)
    t = (t - mn_log) / (mx_log - mn_log)
    t = N_POS_EMB_K * t
    idx_ref[...] = t.astype(jnp.int32)


def _compute_idx(d2):
    rows, cols = d2.shape
    br = 256
    return pl.pallas_call(
        _idx_body,
        grid=(rows // br,),
        in_specs=[pl.BlockSpec((br, cols), lambda i: (i, 0))],
        out_specs=pl.BlockSpec((br, cols), lambda i: (i, 0)),
        out_shape=jax.ShapeDtypeStruct((rows, cols), jnp.int32),
    )(d2)


def _sc_gather(idx2, tab_t):
    rows, cols = idx2.shape
    bands = rows // ROWB
    bands_per_w = bands // NW
    ncol = cols // COLB
    mesh = plsc.VectorSubcoreMesh(
        core_axis_name="c", subcore_axis_name="s", num_cores=NC, num_subcores=NS
    )

    nchunks = bands_per_w * ncol
    qper = COLB // LANES

    @functools.partial(
        pl.kernel,
        out_type=jax.ShapeDtypeStruct((1, N_HEADS_K, rows, cols), jnp.float32),
        mesh=mesh,
        compiler_params=pltpu.CompilerParams(needs_layout_passes=False),
        scratch_types=[
            pltpu.VMEM((NPAIR * PADV,), jnp.int32),
            pltpu.VMEM((ROWB, COLB), jnp.int32),
            pltpu.VMEM((ROWB, COLB), jnp.int32),
            pltpu.VMEM((N_HEADS_K, ROWB, COLB), jnp.float32),
            pltpu.VMEM((N_HEADS_K, ROWB, COLB), jnp.float32),
            pltpu.SemaphoreType.DMA,
            pltpu.SemaphoreType.DMA,
            pltpu.SemaphoreType.DMA,
            pltpu.SemaphoreType.DMA,
        ],
    )
    def run(idx_hbm, table_hbm, out_hbm, tab_v, idx_v0, idx_v1,
            rows_v0, rows_v1, sin0, sin1, sout0, sout1):
        wid = lax.axis_index("s") * NC + lax.axis_index("c")
        band0 = wid * bands_per_w
        idx_bufs = (idx_v0, idx_v1)
        rows_bufs = (rows_v0, rows_v1)
        sins = (sin0, sin1)
        souts = (sout0, sout1)
        pltpu.sync_copy(table_hbm, tab_v)

        def chunk_slices(k):
            r0 = pl.multiple_of((band0 + k // ncol) * ROWB, ROWB)
            c0 = pl.multiple_of((k % ncol) * COLB, COLB)
            return r0, c0

        def issue_in(k, p):
            r0, c0 = chunk_slices(k)
            pltpu.async_copy(
                idx_hbm.at[pl.ds(r0, ROWB), pl.ds(c0, COLB)], idx_bufs[p], sins[p]
            )

        def wait_in(p):
            pltpu.make_async_copy(
                idx_hbm.at[pl.ds(0, ROWB), pl.ds(0, COLB)], idx_bufs[p], sins[p]
            ).wait()

        def issue_outs(k, p):
            r0, c0 = chunk_slices(k)
            pltpu.async_copy(
                rows_bufs[p],
                out_hbm.at[0, :, pl.ds(r0, ROWB), pl.ds(c0, COLB)],
                souts[p],
            )

        def wait_outs(p):
            pltpu.make_async_copy(
                rows_bufs[p],
                out_hbm.at[0, :, pl.ds(0, ROWB), pl.ds(0, COLB)],
                souts[p],
            ).wait()

        def compute(p):
            idx_b, rows_b = idx_bufs[p], rows_bufs[p]

            @plsc.parallel_loop(0, ROWB * qper, unroll=4)
            def _(t):
                ri = t // qper
                q = t % qper
                f = idx_b[ri, pl.ds(q * LANES, LANES)]
                for hp in range(NPAIR):
                    w = plsc.load_gather(tab_v, [f + hp * PADV])
                    lo = plsc.bitcast(lax.shift_left(w, 16), jnp.float32)
                    hi = plsc.bitcast(w & jnp.int32(-65536), jnp.float32)
                    rows_b[2 * hp, ri, pl.ds(q * LANES, LANES)] = lo
                    rows_b[2 * hp + 1, ri, pl.ds(q * LANES, LANES)] = hi

        issue_in(0, 0)

        @pl.loop(0, nchunks // 2)
        def _(g):
            for p in range(2):
                k = g * 2 + p

                @pl.when(k + 1 < nchunks)
                def _():
                    issue_in(k + 1, 1 - p)

                wait_in(p)

                @pl.when(k >= 2)
                def _():
                    wait_outs(p)

                compute(p)
                issue_outs(k, p)

        wait_outs(0)
        wait_outs(1)

    return run(idx2, tab_t)


def kernel(d_mat, embeddings_table):
    b, rows, cols = d_mat.shape
    idx2 = _compute_idx(d_mat.reshape(b * rows, cols))
    tb = lax.bitcast_convert_type(
        embeddings_table.T.astype(jnp.bfloat16), jnp.uint16
    ).astype(jnp.uint32)
    packed = (tb[0::2, :] | (tb[1::2, :] << 16)).astype(jnp.int32)
    tab_t = (
        jnp.zeros((NPAIR, PADV), jnp.int32)
        .at[:, : N_POS_EMB_K + 1]
        .set(packed)
        .reshape(-1)
    )
    out = _sc_gather(idx2, tab_t)
    return out.transpose(0, 2, 3, 1)

# --- scband reference (transcript-rebuilt; emitter-appended) ---
"""Pipeline reference for scband-position-embedder-phys-log-37890201485773 (READ-ONLY COPY).

The authoritative reference and input builder live on the scoring server;
editing this copy changes nothing except your own understanding.
"""

import jax, jax.numpy as jnp
import numpy as np

MIN_POS = 0.1
MAX_POS = 1000.0
N_POS_EMB = 512
N_HEADS = 12


def setup_inputs(seed: int = 0) -> dict:
    key = jax.random.key(seed)
    k1, k2 = jax.random.split(key)
    d_mat = jax.random.uniform(k1, (1, 2048, 2048), dtype=jnp.float32)
    # xavier_uniform init for embeddings_table [n_pos_emb+1, n_heads]
    fan_in, fan_out = N_POS_EMB + 1, N_HEADS
    limit = float(np.sqrt(6.0 / (fan_in + fan_out)))
    embeddings_table = jax.random.uniform(
        k2, (N_POS_EMB + 1, N_HEADS), minval=-limit, maxval=limit, dtype=jnp.float32
    )
    return {"d_mat": d_mat, "embeddings_table": embeddings_table}


def reference(d_mat, embeddings_table):
    mn_log = jnp.log10(jnp.float32(MIN_POS))
    mx_log = jnp.log10(jnp.float32(MAX_POS))
    # sign computed in original but unused downstream
    sgn = jnp.sign(d_mat)
    d_mat_pos = jnp.clip(d_mat, MIN_POS, MAX_POS)
    d_mat_pos = jnp.log10(d_mat_pos)
    d_mat_pos = (d_mat_pos - mn_log) / (mx_log - mn_log)
    d_mat_pos = N_POS_EMB * d_mat_pos
    idx = d_mat_pos.astype(jnp.int32)
    embeddings = jnp.take(embeddings_table, idx, axis=0)
    return embeddings

if __name__ == "__main__":
    import jax
    _d = setup_inputs()
    print(jax.jit(kernel)(*tuple(_d.values())))

</pallas_src>

<mosaic_0001>
#map = affine_map<(d0, d1) -> (0, 0)>
#map1 = affine_map<(d0, d1) -> (0)>
#map2 = affine_map<(d0, d1) -> (0, 0, 0, 0)>
module attributes {stable_mosaic.version = 14 : i64} {
  func.func @run(%arg0: i32, %arg1: i32, %arg2: memref<2048x2048xi32, #tpu.memory_space<hbm>>, %arg3: memref<3120xi32, #tpu.memory_space<hbm>>, %arg4: memref<1x12x2048x2048xf32, #tpu.memory_space<hbm>>, %arg5: memref<3120xi32, #tpu.memory_space<vmem>>, %arg6: memref<8x512xi32, #tpu.memory_space<vmem>>, %arg7: memref<8x512xi32, #tpu.memory_space<vmem>>, %arg8: memref<12x8x512xf32, #tpu.memory_space<vmem>>, %arg9: memref<12x8x512xf32, #tpu.memory_space<vmem>>, %arg10: memref<!tpu.dma_semaphore, #tpu.memory_space<semaphore_mem>>, %arg11: memref<!tpu.dma_semaphore, #tpu.memory_space<semaphore_mem>>, %arg12: memref<!tpu.dma_semaphore, #tpu.memory_space<semaphore_mem>>, %arg13: memref<!tpu.dma_semaphore, #tpu.memory_space<semaphore_mem>>) attributes {dimension_semantics = [#tpu.dimension_semantics<core_parallel>, #tpu.dimension_semantics<subcore_parallel>], iteration_bounds = array<i64: 2, 16>, scalar_prefetch = 0 : i64, scratch_operands = 9 : i64, tpu.core_type = #tpu.core_type<sc_vector_subcore>, window_params = [{transform_indices = #map}, {transform_indices = #map1}, {transform_indices = #map2}]} {
    %mul3A = arith.constant 2 : i32
    %mul3A_0 = arith.muli %arg1, %mul3A : i32
    %add3A = arith.addi %mul3A_0, %arg0 : i32
    %mul3A_1 = arith.constant 8 : i32
    %mul3A_2 = arith.muli %add3A, %mul3A_1 : i32
    "tpu.region"() ({
      %run_scoped3A = tpu.sem_alloc : memref<!tpu.dma_semaphore, #tpu.memory_space<semaphore_mem>>
      tpu.enqueue_dma source(%arg3 : memref<3120xi32, #tpu.memory_space<hbm>>) target(%arg5 : memref<3120xi32, #tpu.memory_space<vmem>>) target_semaphore(%run_scoped3A : memref<!tpu.dma_semaphore, #tpu.memory_space<semaphore_mem>>)
      tpu.wait_dma2 semaphore(%run_scoped3A : memref<!tpu.dma_semaphore, #tpu.memory_space<semaphore_mem>>) src(%arg3 : memref<3120xi32, #tpu.memory_space<hbm>>) dst(%arg5 : memref<3120xi32, #tpu.memory_space<vmem>>)
      tpu.yield
    }) : () -> ()
    %add3A_3 = arith.constant 0 : i32
    %add3A_4 = arith.addi %mul3A_2, %add3A_3 : i32
    %mul3A_5 = arith.constant 8 : i32
    %mul3A_6 = arith.muli %add3A_4, %mul3A_5 : i32
    %multiple_of3A = tpu.assume_multiple %mul3A_6, 8 : i32
    %multiple_of3A_7 = arith.constant 0 : i32
    %multiple_of3A_8 = tpu.assume_multiple %multiple_of3A_7, 512 : i32
    %dma_start3A = tpu.memref_slice %arg2[%multiple_of3A, %multiple_of3A_8] : memref<2048x2048xi32, #tpu.memory_space<hbm>> -> memref<8x512xi32, #tpu.memory_space<hbm>>
    %dma_start3A_9 = tpu.memref_slice %arg2[%multiple_of3A, %multiple_of3A_8] : memref<2048x2048xi32, #tpu.memory_space<hbm>> -> memref<8x512xi32, #tpu.memory_space<hbm>>
    tpu.enqueue_dma source(%dma_start3A_9 : memref<8x512xi32, #tpu.memory_space<hbm>>) target(%arg6 : memref<8x512xi32, #tpu.memory_space<vmem>>) target_semaphore(%arg10 : memref<!tpu.dma_semaphore, #tpu.memory_space<semaphore_mem>>)
    %scan3A = arith.constant 0 : i32
    %scan3A_10 = arith.constant 16 : i32
    %scan3A_11 = arith.addi %scan3A, %scan3A_10 : i32
    %scan3A_12 = arith.constant 1 : i32
    scf.for %scan3A_35 = %scan3A to %scan3A_11 step %scan3A_12  : i32 {
      %mul3A_36 = arith.constant 1 : i32
      %mul3A_37 = arith.muli %scan3A_35, %mul3A_36 : i32
      %add3A_38 = arith.constant 0 : i32
      %add3A_39 = arith.addi %add3A_38, %mul3A_37 : i32
      %mul3A_40 = arith.constant 2 : i32
      %mul3A_41 = arith.muli %add3A_39, %mul3A_40 : i32
      %add3A_42 = arith.constant 0 : i32
      %add3A_43 = arith.addi %mul3A_41, %add3A_42 : i32
      %add3A_44 = arith.constant 1 : i32
      %add3A_45 = arith.addi %add3A_43, %add3A_44 : i32
      %lt3A = arith.constant 32 : i32
      %lt3A_46 = arith.cmpi slt, %add3A_45, %lt3A : i32
      %convert_element_type3A = arith.extui %lt3A_46 : i1 to i32
      %cond3A = arith.constant 0 : i32
      %cond3A_47 = arith.cmpi ne, %convert_element_type3A, %cond3A : i32
      scf.if %cond3A_47 {
        %add3A_184 = arith.constant 1 : i32
        %add3A_185 = arith.addi %add3A_43, %add3A_184 : i32
        %jit3A_186 = arith.constant 4 : i32
        %div3A_187 = arith.divsi %add3A_185, %jit3A_186 : i32
        %sign3A_188 = arith.constant 0 : i32
        %sign3A_189 = arith.cmpi sgt, %add3A_185, %sign3A_188 : i32
        %sign3A_190 = arith.extui %sign3A_189 : i1 to i32
        %sign3A_191 = arith.constant 0 : i32
        %sign3A_192 = arith.cmpi slt, %add3A_185, %sign3A_191 : i32
        %sign3A_193 = arith.extui %sign3A_192 : i1 to i32
        %sign3A_194 = arith.subi %sign3A_190, %sign3A_193 : i32
        %sign3A_195 = arith.constant 0 : i32
        %sign3A_196 = arith.cmpi sgt, %jit3A_186, %sign3A_195 : i32
        %sign3A_197 = arith.extui %sign3A_196 : i1 to i32
        %sign3A_198 = arith.constant 0 : i32
        %sign3A_199 = arith.cmpi slt, %jit3A_186, %sign3A_198 : i32
        %sign3A_200 = arith.extui %sign3A_199 : i1 to i32
        %sign3A_201 = arith.subi %sign3A_197, %sign3A_200 : i32
        %ne3A_202 = arith.cmpi ne, %sign3A_194, %sign3A_201 : i32
        %rem3A_203 = arith.remsi %add3A_185, %jit3A_186 : i32
        %ne3A_204 = arith.constant 0 : i32
        %ne3A_205 = arith.cmpi ne, %rem3A_203, %ne3A_204 : i32
        %and3A_206 = arith.andi %ne3A_202, %ne3A_205 : i1
        %sub3A_207 = arith.constant 1 : i32
        %sub3A_208 = arith.subi %div3A_187, %sub3A_207 : i32
        %select_n3A_209 = arith.select %and3A_206, %sub3A_208, %div3A_187 : i32
        %add3A_210 = arith.addi %mul3A_2, %select_n3A_209 : i32
        %mul3A_211 = arith.constant 8 : i32
        %mul3A_212 = arith.muli %add3A_210, %mul3A_211 : i32
        %multiple_of3A_213 = tpu.assume_multiple %mul3A_212, 8 : i32
        %jit3A_214 = arith.constant 4 : i32
        %eq3A_215 = arith.constant 0 : i32
        %eq3A_216 = arith.cmpi eq, %jit3A_214, %eq3A_215 : i32
        %jit3A_217 = arith.constant 1 : i32
        %select_n3A_218 = arith.select %eq3A_216, %jit3A_217, %jit3A_214 : i32
        %rem3A_219 = arith.remsi %add3A_185, %select_n3A_218 : i32
        %ne3A_220 = arith.constant 0 : i32
        %ne3A_221 = arith.cmpi ne, %rem3A_219, %ne3A_220 : i32
        %lt3A_222 = arith.constant 0 : i32
        %lt3A_223 = arith.cmpi slt, %rem3A_219, %lt3A_222 : i32
        %lt3A_224 = arith.constant 0 : i32
        %lt3A_225 = arith.cmpi slt, %select_n3A_218, %lt3A_224 : i32
        %ne3A_226 = arith.xori %lt3A_223, %lt3A_225 : i1
        %and3A_227 = arith.andi %ne3A_226, %ne3A_221 : i1
        %add3A_228 = arith.addi %rem3A_219, %select_n3A_218 : i32
        %select_n3A_229 = arith.select %and3A_227, %add3A_228, %rem3A_219 : i32
        %mul3A_230 = arith.constant 512 : i32
        %mul3A_231 = arith.muli %select_n3A_229, %mul3A_230 : i32
        %multiple_of3A_232 = tpu.assume_multiple %mul3A_231, 512 : i32
        %dma_start3A_233 = tpu.memref_slice %arg2[%multiple_of3A_213, %multiple_of3A_232] : memref<2048x2048xi32, #tpu.memory_space<hbm>> -> memref<8x512xi32, #tpu.memory_space<hbm>>
        %dma_start3A_234 = tpu.memref_slice %arg2[%multiple_of3A_213, %multiple_of3A_232] : memref<2048x2048xi32, #tpu.memory_space<hbm>> -> memref<8x512xi32, #tpu.memory_space<hbm>>
        tpu.enqueue_dma source(%dma_start3A_234 : memref<8x512xi32, #tpu.memory_space<hbm>>) target(%arg7 : memref<8x512xi32, #tpu.memory_space<vmem>>) target_semaphore(%arg11 : memref<!tpu.dma_semaphore, #tpu.memory_space<semaphore_mem>>)
      } else {
      }
      %dma_wait3A_48 = arith.constant 0 : i32
      %dma_wait3A_49 = arith.constant 0 : i32
      %dma_wait3A_50 = tpu.memref_slice %arg2[%dma_wait3A_48, %dma_wait3A_49] : memref<2048x2048xi32, #tpu.memory_space<hbm>> -> memref<8x512xi32, #tpu.memory_space<hbm>>
      %dma_wait3A_51 = arith.constant 0 : i32
      %dma_wait3A_52 = arith.constant 0 : i32
      %dma_wait3A_53 = tpu.memref_slice %arg2[%dma_wait3A_51, %dma_wait3A_52] : memref<2048x2048xi32, #tpu.memory_space<hbm>> -> memref<8x512xi32, #tpu.memory_space<hbm>>
      tpu.wait_dma2 semaphore(%arg10 : memref<!tpu.dma_semaphore, #tpu.memory_space<semaphore_mem>>) src(%dma_wait3A_53 : memref<8x512xi32, #tpu.memory_space<hbm>>) dst(%arg6 : memref<8x512xi32, #tpu.memory_space<vmem>>)
      %ge3A = arith.constant 2 : i32
      %ge3A_54 = arith.cmpi sge, %add3A_43, %ge3A : i32
      %convert_element_type3A_55 = arith.extui %ge3A_54 : i1 to i32
      %cond3A_56 = arith.constant 0 : i32
      %cond3A_57 = arith.cmpi ne, %convert_element_type3A_55, %cond3A_56 : i32
      scf.if %cond3A_57 {
        %dma_wait3A_184 = arith.constant 0 : i32
        %dma_wait3A_185 = arith.constant 0 : i32
        %dma_wait3A_186 = arith.constant 0 : i32
        %dma_wait3A_187 = arith.constant 0 : i32
        %dma_wait3A_188 = tpu.memref_slice %arg4[%dma_wait3A_184, %dma_wait3A_185, %dma_wait3A_186, %dma_wait3A_187] : memref<1x12x2048x2048xf32, #tpu.memory_space<hbm>> -> memref<1x12x8x512xf32, #tpu.memory_space<hbm>>
        %dma_wait3A_189 = tpu.memref_squeeze %dma_wait3A_188 : memref<1x12x8x512xf32, #tpu.memory_space<hbm>> -> memref<12x8x512xf32, #tpu.memory_space<hbm>>
        %dma_wait3A_190 = arith.constant 0 : i32
        %dma_wait3A_191 = arith.constant 0 : i32
        %dma_wait3A_192 = arith.constant 0 : i32
        %dma_wait3A_193 = tpu.memref_slice %arg4[%dma_wait3A_184, %dma_wait3A_190, %dma_wait3A_191, %dma_wait3A_192] : memref<1x12x2048x2048xf32, #tpu.memory_space<hbm>> -> memref<1x12x8x512xf32, #tpu.memory_space<hbm>>
        %dma_wait3A_194 = tpu.memref_squeeze %dma_wait3A_193 : memref<1x12x8x512xf32, #tpu.memory_space<hbm>> -> memref<12x8x512xf32, #tpu.memory_space<hbm>>
        tpu.wait_dma2 semaphore(%arg12 : memref<!tpu.dma_semaphore, #tpu.memory_space<semaphore_mem>>) src(%arg8 : memref<12x8x512xf32, #tpu.memory_space<vmem>>) dst(%dma_wait3A_194 : memref<12x8x512xf32, #tpu.memory_space<hbm>>)
      } else {
      }
      %parallel_loop3A = arith.constant 0 : i32
      %parallel_loop3A_58 = arith.constant 256 : i32
      %parallel_loop3A_59 = arith.constant 1 : i32
      scf.for %parallel_loop3A_184 = %parallel_loop3A to %parallel_loop3A_58 step %parallel_loop3A_59  : i32 {
        %parallel_loop3A_185 = arith.constant 32 : i32
        %parallel_loop3A_186 = arith.divsi %parallel_loop3A_184, %parallel_loop3A_185 : i32
        %parallel_loop3A_187 = arith.constant 0 : i32
        %parallel_loop3A_188 = arith.cmpi sgt, %parallel_loop3A_184, %parallel_loop3A_187 : i32
        %parallel_loop3A_189 = arith.extui %parallel_loop3A_188 : i1 to i32
        %parallel_loop3A_190 = arith.constant 0 : i32
        %parallel_loop3A_191 = arith.cmpi slt, %parallel_loop3A_184, %parallel_loop3A_190 : i32
        %parallel_loop3A_192 = arith.extui %parallel_loop3A_191 : i1 to i32
        %parallel_loop3A_193 = arith.subi %parallel_loop3A_189, %parallel_loop3A_192 : i32
        %parallel_loop3A_194 = arith.constant 0 : i32
        %parallel_loop3A_195 = arith.cmpi sgt, %parallel_loop3A_185, %parallel_loop3A_194 : i32
        %parallel_loop3A_196 = arith.extui %parallel_loop3A_195 : i1 to i32
        %parallel_loop3A_197 = arith.constant 0 : i32
        %parallel_loop3A_198 = arith.cmpi slt, %parallel_loop3A_185, %parallel_loop3A_197 : i32
        %parallel_loop3A_199 = arith.extui %parallel_loop3A_198 : i1 to i32
        %parallel_loop3A_200 = arith.subi %parallel_loop3A_196, %parallel_loop3A_199 : i32
        %parallel_loop3A_201 = arith.cmpi ne, %parallel_loop3A_193, %parallel_loop3A_200 : i32
        %parallel_loop3A_202 = arith.remsi %parallel_loop3A_184, %parallel_loop3A_185 : i32
        %parallel_loop3A_203 = arith.constant 0 : i32
        %parallel_loop3A_204 = arith.cmpi ne, %parallel_loop3A_202, %parallel_loop3A_203 : i32
        %parallel_loop3A_205 = arith.andi %parallel_loop3A_201, %parallel_loop3A_204 : i1
        %parallel_loop3A_206 = arith.constant 1 : i32
        %parallel_loop3A_207 = arith.subi %parallel_loop3A_186, %parallel_loop3A_206 : i32
        %parallel_loop3A_208 = arith.select %parallel_loop3A_205, %parallel_loop3A_207, %parallel_loop3A_186 : i32
        %parallel_loop3A_209 = arith.constant 32 : i32
        %parallel_loop3A_210 = arith.constant 0 : i32
        %parallel_loop3A_211 = arith.cmpi eq, %parallel_loop3A_209, %parallel_loop3A_210 : i32
        %parallel_loop3A_212 = arith.constant 1 : i32
        %parallel_loop3A_213 = arith.select %parallel_loop3A_211, %parallel_loop3A_212, %parallel_loop3A_209 : i32
        %parallel_loop3A_214 = arith.remsi %parallel_loop3A_184, %parallel_loop3A_213 : i32
        %parallel_loop3A_215 = arith.constant 0 : i32
        %parallel_loop3A_216 = arith.cmpi ne, %parallel_loop3A_214, %parallel_loop3A_215 : i32
        %parallel_loop3A_217 = arith.constant 0 : i32
        %parallel_loop3A_218 = arith.cmpi slt, %parallel_loop3A_214, %parallel_loop3A_217 : i32
        %parallel_loop3A_219 = arith.constant 0 : i32
        %parallel_loop3A_220 = arith.cmpi slt, %parallel_loop3A_213, %parallel_loop3A_219 : i32
        %parallel_loop3A_221 = arith.xori %parallel_loop3A_218, %parallel_loop3A_220 : i1
        %parallel_loop3A_222 = arith.andi %parallel_loop3A_221, %parallel_loop3A_216 : i1
        %parallel_loop3A_223 = arith.addi %parallel_loop3A_214, %parallel_loop3A_213 : i32
        %parallel_loop3A_224 = arith.select %parallel_loop3A_222, %parallel_loop3A_223, %parallel_loop3A_214 : i32
        %parallel_loop3A_225 = arith.constant 16 : i32
        %parallel_loop3A_226 = arith.muli %parallel_loop3A_224, %parallel_loop3A_225 : i32
        %parallel_loop3A_227 = arith.index_cast %parallel_loop3A_208 : i32 to index
        %parallel_loop3A_228 = arith.index_cast %parallel_loop3A_226 : i32 to index
        %parallel_loop3A_229 = tpu.vector_load %arg6[%parallel_loop3A_227, %parallel_loop3A_228] {strides = array<i32>} : memref<8x512xi32, #tpu.memory_space<vmem>>, vector<16xi32>,
        %parallel_loop3A_230 = arith.constant 0 : i32
        %parallel_loop3A_231 = vector.broadcast %parallel_loop3A_230 : i32 to vector<16xi32>
        %parallel_loop3A_232 = arith.addi %parallel_loop3A_229, %parallel_loop3A_231 : vector<16xi32>
        %parallel_loop3A_233 = tpu.vector_load_idx %arg5[%parallel_loop3A_232] : memref<3120xi32, #tpu.memory_space<vmem>>[vector<16xi32>], vector<16xi32>,
        %parallel_loop3A_234 = arith.constant 16 : i32
        %parallel_loop3A_235 = vector.broadcast %parallel_loop3A_234 : i32 to vector<16xi32>
        %parallel_loop3A_236 = arith.shli %parallel_loop3A_233, %parallel_loop3A_235 : vector<16xi32>
        %parallel_loop3A_237 = vector.bitcast %parallel_loop3A_236 : vector<16xi32> to vector<16xf32>
        %parallel_loop3A_238 = arith.constant -65536 : i32
        %parallel_loop3A_239 = vector.broadcast %parallel_loop3A_238 : i32 to vector<16xi32>
        %parallel_loop3A_240 = arith.andi %parallel_loop3A_233, %parallel_loop3A_239 : vector<16xi32>
        %parallel_loop3A_241 = vector.bitcast %parallel_loop3A_240 : vector<16xi32> to vector<16xf32>
        %parallel_loop3A_242 = arith.constant 16 : i32
        %parallel_loop3A_243 = arith.muli %parallel_loop3A_224, %parallel_loop3A_242 : i32
        %parallel_loop3A_244 = arith.constant 0 : i32
        %parallel_loop3A_245 = arith.index_cast %parallel_loop3A_244 : i32 to index
        %parallel_loop3A_246 = arith.index_cast %parallel_loop3A_208 : i32 to index
        %parallel_loop3A_247 = arith.index_cast %parallel_loop3A_243 : i32 to index
        %parallel_loop3A_248 = tpu.vector_load %arg8[%parallel_loop3A_245, %parallel_loop3A_246, %parallel_loop3A_247] {strides = array<i32>} : memref<12x8x512xf32, #tpu.memory_space<vmem>>, vector<16xf32>,
        tpu.vector_store %arg8[%parallel_loop3A_245, %parallel_loop3A_246, %parallel_loop3A_247], %parallel_loop3A_237 {strides = array<i32>} : memref<12x8x512xf32, #tpu.memory_space<vmem>>, vector<16xf32>,
        %parallel_loop3A_249 = arith.constant 16 : i32
        %parallel_loop3A_250 = arith.muli %parallel_loop3A_224, %parallel_loop3A_249 : i32
        %parallel_loop3A_251 = arith.constant 1 : i32
        %parallel_loop3A_252 = arith.index_cast %parallel_loop3A_251 : i32 to index
        %parallel_loop3A_253 = arith.index_cast %parallel_loop3A_208 : i32 to index
        %parallel_loop3A_254 = arith.index_cast %parallel_loop3A_250 : i32 to index
        %parallel_loop3A_255 = tpu.vector_load %arg8[%parallel_loop3A_252, %parallel_loop3A_253, %parallel_loop3A_254] {strides = array<i32>} : memref<12x8x512xf32, #tpu.memory_space<vmem>>, vector<16xf32>,
        tpu.vector_store %arg8[%parallel_loop3A_252, %parallel_loop3A_253, %parallel_loop3A_254], %parallel_loop3A_241 {strides = array<i32>} : memref<12x8x512xf32, #tpu.memory_space<vmem>>, vector<16xf32>,
        %parallel_loop3A_256 = arith.constant 520 : i32
        %parallel_loop3A_257 = vector.broadcast %parallel_loop3A_256 : i32 to vector<16xi32>
        %parallel_loop3A_258 = arith.addi %parallel_loop3A_229, %parallel_loop3A_257 : vector<16xi32>
        %parallel_loop3A_259 = tpu.vector_load_idx %arg5[%parallel_loop3A_258] : memref<3120xi32, #tpu.memory_space<vmem>>[vector<16xi32>], vector<16xi32>,
        %parallel_loop3A_260 = arith.constant 16 : i32
        %parallel_loop3A_261 = vector.broadcast %parallel_loop3A_260 : i32 to vector<16xi32>
        %parallel_loop3A_262 = arith.shli %parallel_loop3A_259, %parallel_loop3A_261 : vector<16xi32>
        %parallel_loop3A_263 = vector.bitcast %parallel_loop3A_262 : vector<16xi32> to vector<16xf32>
        %parallel_loop3A_264 = arith.constant -65536 : i32
        %parallel_loop3A_265 = vector.broadcast %parallel_loop3A_264 : i32 to vector<16xi32>
        %parallel_loop3A_266 = arith.andi %parallel_loop3A_259, %parallel_loop3A_265 : vector<16xi32>
        %parallel_loop3A_267 = vector.bitcast %parallel_loop3A_266 : vector<16xi32> to vector<16xf32>
        %parallel_loop3A_268 = arith.constant 16 : i32
        %parallel_loop3A_269 = arith.muli %parallel_loop3A_224, %parallel_loop3A_268 : i32
        %parallel_loop3A_270 = arith.constant 2 : i32
        %parallel_loop3A_271 = arith.index_cast %parallel_loop3A_270 : i32 to index
        %parallel_loop3A_272 = arith.index_cast %parallel_loop3A_208 : i32 to index
        %parallel_loop3A_273 = arith.index_cast %parallel_loop3A_269 : i32 to index
        %parallel_loop3A_274 = tpu.vector_load %arg8[%parallel_loop3A_271, %parallel_loop3A_272, %parallel_loop3A_273] {strides = array<i32>} : memref<12x8x512xf32, #tpu.memory_space<vmem>>, vector<16xf32>,
        tpu.vector_store %arg8[%parallel_loop3A_271, %parallel_loop3A_272, %parallel_loop3A_273], %parallel_loop3A_263 {strides = array<i32>} : memref<12x8x512xf32, #tpu.memory_space<vmem>>, vector<16xf32>,
        %parallel_loop3A_275 = arith.constant 16 : i32
        %parallel_loop3A_276 = arith.muli %parallel_loop3A_224, %parallel_loop3A_275 : i32
        %parallel_loop3A_277 = arith.constant 3 : i32
        %parallel_loop3A_278 = arith.index_cast %parallel_loop3A_277 : i32 to index
        %parallel_loop3A_279 = arith.index_cast %parallel_loop3A_208 : i32 to index
        %parallel_loop3A_280 = arith.index_cast %parallel_loop3A_276 : i32 to index
        %parallel_loop3A_281 = tpu.vector_load %arg8[%parallel_loop3A_278, %parallel_loop3A_279, %parallel_loop3A_280] {strides = array<i32>} : memref<12x8x512xf32, #tpu.memory_space<vmem>>, vector<16xf32>,
        tpu.vector_store %arg8[%parallel_loop3A_278, %parallel_loop3A_279, %parallel_loop3A_280], %parallel_loop3A_267 {strides = array<i32>} : memref<12x8x512xf32, #tpu.memory_space<vmem>>, vector<16xf32>,
        %parallel_loop3A_282 = arith.constant 1040 : i32
        %parallel_loop3A_283 = vector.broadcast %parallel_loop3A_282 : i32 to vector<16xi32>
        %parallel_loop3A_284 = arith.addi %parallel_loop3A_229, %parallel_loop3A_283 : vector<16xi32>
        %parallel_loop3A_285 = tpu.vector_load_idx %arg5[%parallel_loop3A_284] : memref<3120xi32, #tpu.memory_space<vmem>>[vector<16xi32>], vector<16xi32>,
        %parallel_loop3A_286 = arith.constant 16 : i32
        %parallel_loop3A_287 = vector.broadcast %parallel_loop3A_286 : i32 to vector<16xi32>
        %parallel_loop3A_288 = arith.shli %parallel_loop3A_285, %parallel_loop3A_287 : vector<16xi32>
        %parallel_loop3A_289 = vector.bitcast %parallel_loop3A_288 : vector<16xi32> to vector<16xf32>
        %parallel_loop3A_290 = arith.constant -65536 : i32
        %parallel_loop3A_291 = vector.broadcast %parallel_loop3A_290 : i32 to vector<16xi32>
        %parallel_loop3A_292 = arith.andi %parallel_loop3A_285, %parallel_loop3A_291 : vector<16xi32>
        %parallel_loop3A_293 = vector.bitcast %parallel_loop3A_292 : vector<16xi32> to vector<16xf32>
        %parallel_loop3A_294 = arith.constant 16 : i32
        %parallel_loop3A_295 = arith.muli %parallel_loop3A_224, %parallel_loop3A_294 : i32
        %parallel_loop3A_296 = arith.constant 4 : i32
        %parallel_loop3A_297 = arith.index_cast %parallel_loop3A_296 : i32 to index
        %parallel_loop3A_298 = arith.index_cast %parallel_loop3A_208 : i32 to index
        %parallel_loop3A_299 = arith.index_cast %parallel_loop3A_295 : i32 to index
        %parallel_loop3A_300 = tpu.vector_load %arg8[%parallel_loop3A_297, %parallel_loop3A_298, %parallel_loop3A_299] {strides = array<i32>} : memref<12x8x512xf32, #tpu.memory_space<vmem>>, vector<16xf32>,
        tpu.vector_store %arg8[%parallel_loop3A_297, %parallel_loop3A_298, %parallel_loop3A_299], %parallel_loop3A_289 {strides = array<i32>} : memref<12x8x512xf32, #tpu.memory_space<vmem>>, vector<16xf32>,
        %parallel_loop3A_301 = arith.constant 16 : i32
        %parallel_loop3A_302 = arith.muli %parallel_loop3A_224, %parallel_loop3A_301 : i32
        %parallel_loop3A_303 = arith.constant 5 : i32
        %parallel_loop3A_304 = arith.index_cast %parallel_loop3A_303 : i32 to index
        %parallel_loop3A_305 = arith.index_cast %parallel_loop3A_208 : i32 to index
        %parallel_loop3A_306 = arith.index_cast %parallel_loop3A_302 : i32 to index
        %parallel_loop3A_307 = tpu.vector_load %arg8[%parallel_loop3A_304, %parallel_loop3A_305, %parallel_loop3A_306] {strides = array<i32>} : memref<12x8x512xf32, #tpu.memory_space<vmem>>, vector<16xf32>,
        tpu.vector_store %arg8[%parallel_loop3A_304, %parallel_loop3A_305, %parallel_loop3A_306], %parallel_loop3A_293 {strides = array<i32>} : memref<12x8x512xf32, #tpu.memory_space<vmem>>, vector<16xf32>,
        %parallel_loop3A_308 = arith.constant 1560 : i32
        %parallel_loop3A_309 = vector.broadcast %parallel_loop3A_308 : i32 to vector<16xi32>
        %parallel_loop3A_310 = arith.addi %parallel_loop3A_229, %parallel_loop3A_309 : vector<16xi32>
        %parallel_loop3A_311 = tpu.vector_load_idx %arg5[%parallel_loop3A_310] : memref<3120xi32, #tpu.memory_space<vmem>>[vector<16xi32>], vector<16xi32>,
        %parallel_loop3A_312 = arith.constant 16 : i32
        %parallel_loop3A_313 = vector.broadcast %parallel_loop3A_312 : i32 to vector<16xi32>
        %parallel_loop3A_314 = arith.shli %parallel_loop3A_311, %parallel_loop3A_313 : vector<16xi32>
        %parallel_loop3A_315 = vector.bitcast %parallel_loop3A_314 : vector<16xi32> to vector<16xf32>
        %parallel_loop3A_316 = arith.constant -65536 : i32
        %parallel_loop3A_317 = vector.broadcast %parallel_loop3A_316 : i32 to vector<16xi32>
        %parallel_loop3A_318 = arith.andi %parallel_loop3A_311, %parallel_loop3A_317 : vector<16xi32>
        %parallel_loop3A_319 = vector.bitcast %parallel_loop3A_318 : vector<16xi32> to vector<16xf32>
        %parallel_loop3A_320 = arith.constant 16 : i32
        %parallel_loop3A_321 = arith.muli %parallel_loop3A_224, %parallel_loop3A_320 : i32
        %parallel_loop3A_322 = arith.constant 6 : i32
        %parallel_loop3A_323 = arith.index_cast %parallel_loop3A_322 : i32 to index
        %parallel_loop3A_324 = arith.index_cast %parallel_loop3A_208 : i32 to index
        %parallel_loop3A_325 = arith.index_cast %parallel_loop3A_321 : i32 to index
        %parallel_loop3A_326 = tpu.vector_load %arg8[%parallel_loop3A_323, %parallel_loop3A_324, %parallel_loop3A_325] {strides = array<i32>} : memref<12x8x512xf32, #tpu.memory_space<vmem>>, vector<16xf32>,
        tpu.vector_store %arg8[%parallel_loop3A_323, %parallel_loop3A_324, %parallel_loop3A_325], %parallel_loop3A_315 {strides = array<i32>} : memref<12x8x512xf32, #tpu.memory_space<vmem>>, vector<16xf32>,
        %parallel_loop3A_327 = arith.constant 16 : i32
        %parallel_loop3A_328 = arith.muli %parallel_loop3A_224, %parallel_loop3A_327 : i32
        %parallel_loop3A_329 = arith.constant 7 : i32
        %parallel_loop3A_330 = arith.index_cast %parallel_loop3A_329 : i32 to index
        %parallel_loop3A_331 = arith.index_cast %parallel_loop3A_208 : i32 to index
        %parallel_loop3A_332 = arith.index_cast %parallel_loop3A_328 : i32 to index
        %parallel_loop3A_333 = tpu.vector_load %arg8[%parallel_loop3A_330, %parallel_loop3A_331, %parallel_loop3A_332] {strides = array<i32>} : memref<12x8x512xf32, #tpu.memory_space<vmem>>, vector<16xf32>,
        tpu.vector_store %arg8[%parallel_loop3A_330, %parallel_loop3A_331, %parallel_loop3A_332], %parallel_loop3A_319 {strides = array<i32>} : memref<12x8x512xf32, #tpu.memory_space<vmem>>, vector<16xf32>,
        %parallel_loop3A_334 = arith.constant 2080 : i32
        %parallel_loop3A_335 = vector.broadcast %parallel_loop3A_334 : i32 to vector<16xi32>
        %parallel_loop3A_336 = arith.addi %parallel_loop3A_229, %parallel_loop3A_335 : vector<16xi32>
        %parallel_loop3A_337 = tpu.vector_load_idx %arg5[%parallel_loop3A_336] : memref<3120xi32, #tpu.memory_space<vmem>>[vector<16xi32>], vector<16xi32>,
        %parallel_loop3A_338 = arith.constant 16 : i32
        %parallel_loop3A_339 = vector.broadcast %parallel_loop3A_338 : i32 to vector<16xi32>
        %parallel_loop3A_340 = arith.shli %parallel_loop3A_337, %parallel_loop3A_339 : vector<16xi32>
        %parallel_loop3A_341 = vector.bitcast %parallel_loop3A_340 : vector<16xi32> to vector<16xf32>
        %parallel_loop3A_342 = arith.constant -65536 : i32
        %parallel_loop3A_343 = vector.broadcast %parallel_loop3A_342 : i32 to vector<16xi32>
        %parallel_loop3A_344 = arith.andi %parallel_loop3A_337, %parallel_loop3A_343 : vector<16xi32>
        %parallel_loop3A_345 = vector.bitcast %parallel_loop3A_344 : vector<16xi32> to vector<16xf32>
        %parallel_loop3A_346 = arith.constant 16 : i32
        %parallel_loop3A_347 = arith.muli %parallel_loop3A_224, %parallel_loop3A_346 : i32
        %parallel_loop3A_348 = arith.constant 8 : i32
        %parallel_loop3A_349 = arith.index_cast %parallel_loop3A_348 : i32 to index
        %parallel_loop3A_350 = arith.index_cast %parallel_loop3A_208 : i32 to index
        %parallel_loop3A_351 = arith.index_cast %parallel_loop3A_347 : i32 to index
        %parallel_loop3A_352 = tpu.vector_load %arg8[%parallel_loop3A_349, %parallel_loop3A_350, %parallel_loop3A_351] {strides = array<i32>} : memref<12x8x512xf32, #tpu.memory_space<vmem>>, vector<16xf32>,
        tpu.vector_store %arg8[%parallel_loop3A_349, %parallel_loop3A_350, %parallel_loop3A_351], %parallel_loop3A_341 {strides = array<i32>} : memref<12x8x512xf32, #tpu.memory_space<vmem>>, vector<16xf32>,
        %parallel_loop3A_353 = arith.constant 16 : i32
        %parallel_loop3A_354 = arith.muli %parallel_loop3A_224, %parallel_loop3A_353 : i32
        %parallel_loop3A_355 = arith.constant 9 : i32
        %parallel_loop3A_356 = arith.index_cast %parallel_loop3A_355 : i32 to index
        %parallel_loop3A_357 = arith.index_cast %parallel_loop3A_208 : i32 to index
        %parallel_loop3A_358 = arith.index_cast %parallel_loop3A_354 : i32 to index
        %parallel_loop3A_359 = tpu.vector_load %arg8[%parallel_loop3A_356, %parallel_loop3A_357, %parallel_loop3A_358] {strides = array<i32>} : memref<12x8x512xf32, #tpu.memory_space<vmem>>, vector<16xf32>,
        tpu.vector_store %arg8[%parallel_loop3A_356, %parallel_loop3A_357, %parallel_loop3A_358], %parallel_loop3A_345 {strides = array<i32>} : memref<12x8x512xf32, #tpu.memory_space<vmem>>, vector<16xf32>,
        %parallel_loop3A_360 = arith.constant 2600 : i32
        %parallel_loop3A_361 = vector.broadcast %parallel_loop3A_360 : i32 to vector<16xi32>
        %parallel_loop3A_362 = arith.addi %parallel_loop3A_229, %parallel_loop3A_361 : vector<16xi32>
        %parallel_loop3A_363 = tpu.vector_load_idx %arg5[%parallel_loop3A_362] : memref<3120xi32, #tpu.memory_space<vmem>>[vector<16xi32>], vector<16xi32>,
        %parallel_loop3A_364 = arith.constant 16 : i32
        %parallel_loop3A_365 = vector.broadcast %parallel_loop3A_364 : i32 to vector<16xi32>
        %parallel_loop3A_366 = arith.shli %parallel_loop3A_363, %parallel_loop3A_365 : vector<16xi32>
        %parallel_loop3A_367 = vector.bitcast %parallel_loop3A_366 : vector<16xi32> to vector<16xf32>
        %parallel_loop3A_368 = arith.constant -65536 : i32
        %parallel_loop3A_369 = vector.broadcast %parallel_loop3A_368 : i32 to vector<16xi32>
        %parallel_loop3A_370 = arith.andi %parallel_loop3A_363, %parallel_loop3A_369 : vector<16xi32>
        %parallel_loop3A_371 = vector.bitcast %parallel_loop3A_370 : vector<16xi32> to vector<16xf32>
        %parallel_loop3A_372 = arith.constant 16 : i32
        %parallel_loop3A_373 = arith.muli %parallel_loop3A_224, %parallel_loop3A_372 : i32
        %parallel_loop3A_374 = arith.constant 10 : i32
        %parallel_loop3A_375 = arith.index_cast %parallel_loop3A_374 : i32 to index
        %parallel_loop3A_376 = arith.index_cast %parallel_loop3A_208 : i32 to index
        %parallel_loop3A_377 = arith.index_cast %parallel_loop3A_373 : i32 to index
        %parallel_loop3A_378 = tpu.vector_load %arg8[%parallel_loop3A_375, %parallel_loop3A_376, %parallel_loop3A_377] {strides = array<i32>} : memref<12x8x512xf32, #tpu.memory_space<vmem>>, vector<16xf32>,
        tpu.vector_store %arg8[%parallel_loop3A_375, %parallel_loop3A_376, %parallel_loop3A_377], %parallel_loop3A_367 {strides = array<i32>} : memref<12x8x512xf32, #tpu.memory_space<vmem>>, vector<16xf32>,
        %parallel_loop3A_379 = arith.constant 16 : i32
        %parallel_loop3A_380 = arith.muli %parallel_loop3A_224, %parallel_loop3A_379 : i32
        %parallel_loop3A_381 = arith.constant 11 : i32
        %parallel_loop3A_382 = arith.index_cast %parallel_loop3A_381 : i32 to index
        %parallel_loop3A_383 = arith.index_cast %parallel_loop3A_208 : i32 to index
        %parallel_loop3A_384 = arith.index_cast %parallel_loop3A_380 : i32 to index
        %parallel_loop3A_385 = tpu.vector_load %arg8[%parallel_loop3A_382, %parallel_loop3A_383, %parallel_loop3A_384] {strides = array<i32>} : memref<12x8x512xf32, #tpu.memory_space<vmem>>, vector<16xf32>,
        tpu.vector_store %arg8[%parallel_loop3A_382, %parallel_loop3A_383, %parallel_loop3A_384], %parallel_loop3A_371 {strides = array<i32>} : memref<12x8x512xf32, #tpu.memory_space<vmem>>, vector<16xf32>,
      } {sc.loop_unroll_factor = 4 : i64, sc.parallel_access}
      %jit3A = arith.constant 4 : i32
      %div3A = arith.divsi %add3A_43, %jit3A : i32
      %sign3A = arith.constant 0 : i32
      %sign3A_60 = arith.cmpi sgt, %add3A_43, %sign3A : i32
      %sign3A_61 = arith.extui %sign3A_60 : i1 to i32
      %sign3A_62 = arith.constant 0 : i32
      %sign3A_63 = arith.cmpi slt, %add3A_43, %sign3A_62 : i32
      %sign3A_64 = arith.extui %sign3A_63 : i1 to i32
      %sign3A_65 = arith.subi %sign3A_61, %sign3A_64 : i32
      %sign3A_66 = arith.constant 0 : i32
      %sign3A_67 = arith.cmpi sgt, %jit3A, %sign3A_66 : i32
      %sign3A_68 = arith.extui %sign3A_67 : i1 to i32
      %sign3A_69 = arith.constant 0 : i32
      %sign3A_70 = arith.cmpi slt, %jit3A, %sign3A_69 : i32
      %sign3A_71 = arith.extui %sign3A_70 : i1 to i32
      %sign3A_72 = arith.subi %sign3A_68, %sign3A_71 : i32
      %ne3A = arith.cmpi ne, %sign3A_65, %sign3A_72 : i32
      %rem3A = arith.remsi %add3A_43, %jit3A : i32
      %ne3A_73 = arith.constant 0 : i32
      %ne3A_74 = arith.cmpi ne, %rem3A, %ne3A_73 : i32
      %and3A = arith.andi %ne3A, %ne3A_74 : i1
      %sub3A = arith.constant 1 : i32
      %sub3A_75 = arith.subi %div3A, %sub3A : i32
      %select_n3A = arith.select %and3A, %sub3A_75, %div3A : i32
      %add3A_76 = arith.addi %mul3A_2, %select_n3A : i32
      %mul3A_77 = arith.constant 8 : i32
      %mul3A_78 = arith.muli %add3A_76, %mul3A_77 : i32
      %multiple_of3A_79 = tpu.assume_multiple %mul3A_78, 8 : i32
      %jit3A_80 = arith.constant 4 : i32
      %eq3A = arith.constant 0 : i32
      %eq3A_81 = arith.cmpi eq, %jit3A_80, %eq3A : i32
      %jit3A_82 = arith.constant 1 : i32
      %select_n3A_83 = arith.select %eq3A_81, %jit3A_82, %jit3A_80 : i32
      %rem3A_84 = arith.remsi %add3A_43, %select_n3A_83 : i32
      %ne3A_85 = arith.constant 0 : i32
      %ne3A_86 = arith.cmpi ne, %rem3A_84, %ne3A_85 : i32
      %lt3A_87 = arith.constant 0 : i32
      %lt3A_88 = arith.cmpi slt, %rem3A_84, %lt3A_87 : i32
      %lt3A_89 = arith.constant 0 : i32
      %lt3A_90 = arith.cmpi slt, %select_n3A_83, %lt3A_89 : i32
      %ne3A_91 = arith.xori %lt3A_88, %lt3A_90 : i1
      %and3A_92 = arith.andi %ne3A_91, %ne3A_86 : i1
      %add3A_93 = arith.addi %rem3A_84, %select_n3A_83 : i32
      %select_n3A_94 = arith.select %and3A_92, %add3A_93, %rem3A_84 : i32
      %mul3A_95 = arith.constant 512 : i32
      %mul3A_96 = arith.muli %select_n3A_94, %mul3A_95 : i32
      %multiple_of3A_97 = tpu.assume_multiple %mul3A_96, 512 : i32
      %dma_start3A_98 = arith.constant 0 : i32
      %dma_start3A_99 = arith.constant 0 : i32
      %dma_start3A_100 = tpu.memref_slice %arg4[%dma_start3A_98, %dma_start3A_99, %multiple_of3A_79, %multiple_of3A_97] : memref<1x12x2048x2048xf32, #tpu.memory_space<hbm>> -> memref<1x12x8x512xf32, #tpu.memory_space<hbm>>
      %dma_start3A_101 = tpu.memref_squeeze %dma_start3A_100 : memref<1x12x8x512xf32, #tpu.memory_space<hbm>> -> memref<12x8x512xf32, #tpu.memory_space<hbm>>
      %dma_start3A_102 = arith.constant 0 : i32
      %dma_start3A_103 = tpu.memref_slice %arg4[%dma_start3A_98, %dma_start3A_102, %multiple_of3A_79, %multiple_of3A_97] : memref<1x12x2048x2048xf32, #tpu.memory_space<hbm>> -> memref<1x12x8x512xf32, #tpu.memory_space<hbm>>
      %dma_start3A_104 = tpu.memref_squeeze %dma_start3A_103 : memref<1x12x8x512xf32, #tpu.memory_space<hbm>> -> memref<12x8x512xf32, #tpu.memory_space<hbm>>
      tpu.enqueue_dma source(%arg8 : memref<12x8x512xf32, #tpu.memory_space<vmem>>) target(%dma_start3A_104 : memref<12x8x512xf32, #tpu.memory_space<hbm>>) target_semaphore(%arg12 : memref<!tpu.dma_semaphore, #tpu.memory_space<semaphore_mem>>)
      %mul3A_105 = arith.constant 2 : i32
      %mul3A_106 = arith.muli %add3A_39, %mul3A_105 : i32
      %add3A_107 = arith.constant 1 : i32
      %add3A_108 = arith.addi %mul3A_106, %add3A_107 : i32
      %add3A_109 = arith.constant 1 : i32
      %add3A_110 = arith.addi %add3A_108, %add3A_109 : i32
      %lt3A_111 = arith.constant 32 : i32
      %lt3A_112 = arith.cmpi slt, %add3A_110, %lt3A_111 : i32
      %convert_element_type3A_113 = arith.extui %lt3A_112 : i1 to i32
      %cond3A_114 = arith.constant 0 : i32
      %cond3A_115 = arith.cmpi ne, %convert_element_type3A_113, %cond3A_114 : i32
      scf.if %cond3A_115 {
        %add3A_184 = arith.constant 1 : i32
        %add3A_185 = arith.addi %add3A_108, %add3A_184 : i32
        %jit3A_186 = arith.constant 4 : i32
        %div3A_187 = arith.divsi %add3A_185, %jit3A_186 : i32
        %sign3A_188 = arith.constant 0 : i32
        %sign3A_189 = arith.cmpi sgt, %add3A_185, %sign3A_188 : i32
        %sign3A_190 = arith.extui %sign3A_189 : i1 to i32
        %sign3A_191 = arith.constant 0 : i32
        %sign3A_192 = arith.cmpi slt, %add3A_185, %sign3A_191 : i32
        %sign3A_193 = arith.extui %sign3A_192 : i1 to i32
        %sign3A_194 = arith.subi %sign3A_190, %sign3A_193 : i32
        %sign3A_195 = arith.constant 0 : i32
        %sign3A_196 = arith.cmpi sgt, %jit3A_186, %sign3A_195 : i32
        %sign3A_197 = arith.extui %sign3A_196 : i1 to i32
        %sign3A_198 = arith.constant 0 : i32
        %sign3A_199 = arith.cmpi slt, %jit3A_186, %sign3A_198 : i32
        %sign3A_200 = arith.extui %sign3A_199 : i1 to i32
        %sign3A_201 = arith.subi %sign3A_197, %sign3A_200 : i32
        %ne3A_202 = arith.cmpi ne, %sign3A_194, %sign3A_201 : i32
        %rem3A_203 = arith.remsi %add3A_185, %jit3A_186 : i32
        %ne3A_204 = arith.constant 0 : i32
        %ne3A_205 = arith.cmpi ne, %rem3A_203, %ne3A_204 : i32
        %and3A_206 = arith.andi %ne3A_202, %ne3A_205 : i1
        %sub3A_207 = arith.constant 1 : i32
        %sub3A_208 = arith.subi %div3A_187, %sub3A_207 : i32
        %select_n3A_209 = arith.select %and3A_206, %sub3A_208, %div3A_187 : i32
        %add3A_210 = arith.addi %mul3A_2, %select_n3A_209 : i32
        %mul3A_211 = arith.constant 8 : i32
        %mul3A_212 = arith.muli %add3A_210, %mul3A_211 : i32
        %multiple_of3A_213 = tpu.assume_multiple %mul3A_212, 8 : i32
        %jit3A_214 = arith.constant 4 : i32
        %eq3A_215 = arith.constant 0 : i32
        %eq3A_216 = arith.cmpi eq, %jit3A_214, %eq3A_215 : i32
        %jit3A_217 = arith.constant 1 : i32
        %select_n3A_218 = arith.select %eq3A_216, %jit3A_217, %jit3A_214 : i32
        %rem3A_219 = arith.remsi %add3A_185, %select_n3A_218 : i32
        %ne3A_220 = arith.constant 0 : i32
        %ne3A_221 = arith.cmpi ne, %rem3A_219, %ne3A_220 : i32
        %lt3A_222 = arith.constant 0 : i32
        %lt3A_223 = arith.cmpi slt, %rem3A_219, %lt3A_222 : i32
        %lt3A_224 = arith.constant 0 : i32
        %lt3A_225 = arith.cmpi slt, %select_n3A_218, %lt3A_224 : i32
        %ne3A_226 = arith.xori %lt3A_223, %lt3A_225 : i1
        %and3A_227 = arith.andi %ne3A_226, %ne3A_221 : i1
        %add3A_228 = arith.addi %rem3A_219, %select_n3A_218 : i32
        %select_n3A_229 = arith.select %and3A_227, %add3A_228, %rem3A_219 : i32
        %mul3A_230 = arith.constant 512 : i32
        %mul3A_231 = arith.muli %select_n3A_229, %mul3A_230 : i32
        %multiple_of3A_232 = tpu.assume_multiple %mul3A_231, 512 : i32
        %dma_start3A_233 = tpu.memref_slice %arg2[%multiple_of3A_213, %multiple_of3A_232] : memref<2048x2048xi32, #tpu.memory_space<hbm>> -> memref<8x512xi32, #tpu.memory_space<hbm>>
        %dma_start3A_234 = tpu.memref_slice %arg2[%multiple_of3A_213, %multiple_of3A_232] : memref<2048x2048xi32, #tpu.memory_space<hbm>> -> memref<8x512xi32, #tpu.memory_space<hbm>>
        tpu.enqueue_dma source(%dma_start3A_234 : memref<8x512xi32, #tpu.memory_space<hbm>>) target(%arg6 : memref<8x512xi32, #tpu.memory_space<vmem>>) target_semaphore(%arg10 : memref<!tpu.dma_semaphore, #tpu.memory_space<semaphore_mem>>)
      } else {
      }
      %dma_wait3A_116 = arith.constant 0 : i32
      %dma_wait3A_117 = arith.constant 0 : i32
      %dma_wait3A_118 = tpu.memref_slice %arg2[%dma_wait3A_116, %dma_wait3A_117] : memref<2048x2048xi32, #tpu.memory_space<hbm>> -> memref<8x512xi32, #tpu.memory_space<hbm>>
      %dma_wait3A_119 = arith.constant 0 : i32
      %dma_wait3A_120 = arith.constant 0 : i32
      %dma_wait3A_121 = tpu.memref_slice %arg2[%dma_wait3A_119, %dma_wait3A_120] : memref<2048x2048xi32, #tpu.memory_space<hbm>> -> memref<8x512xi32, #tpu.memory_space<hbm>>
      tpu.wait_dma2 semaphore(%arg11 : memref<!tpu.dma_semaphore, #tpu.memory_space<semaphore_mem>>) src(%dma_wait3A_121 : memref<8x512xi32, #tpu.memory_space<hbm>>) dst(%arg7 : memref<8x512xi32, #tpu.memory_space<vmem>>)
      %ge3A_122 = arith.constant 2 : i32
      %ge3A_123 = arith.cmpi sge, %add3A_108, %ge3A_122 : i32
      %convert_element_type3A_124 = arith.extui %ge3A_123 : i1 to i32
      %cond3A_125 = arith.constant 0 : i32
      %cond3A_126 = arith.cmpi ne, %convert_element_type3A_124, %cond3A_125 : i32
      scf.if %cond3A_126 {
        %dma_wait3A_184 = arith.constant 0 : i32
        %dma_wait3A_185 = arith.constant 0 : i32
        %dma_wait3A_186 = arith.constant 0 : i32
        %dma_wait3A_187 = arith.constant 0 : i32
        %dma_wait3A_188 = tpu.memref_slice %arg4[%dma_wait3A_184, %dma_wait3A_185, %dma_wait3A_186, %dma_wait3A_187] : memref<1x12x2048x2048xf32, #tpu.memory_space<hbm>> -> memref<1x12x8x512xf32, #tpu.memory_space<hbm>>
        %dma_wait3A_189 = tpu.memref_squeeze %dma_wait3A_188 : memref<1x12x8x512xf32, #tpu.memory_space<hbm>> -> memref<12x8x512xf32, #tpu.memory_space<hbm>>
        %dma_wait3A_190 = arith.constant 0 : i32
        %dma_wait3A_191 = arith.constant 0 : i32
        %dma_wait3A_192 = arith.constant 0 : i32
        %dma_wait3A_193 = tpu.memref_slice %arg4[%dma_wait3A_184, %dma_wait3A_190, %dma_wait3A_191, %dma_wait3A_192] : memref<1x12x2048x2048xf32, #tpu.memory_space<hbm>> -> memref<1x12x8x512xf32, #tpu.memory_space<hbm>>
        %dma_wait3A_194 = tpu.memref_squeeze %dma_wait3A_193 : memref<1x12x8x512xf32, #tpu.memory_space<hbm>> -> memref<12x8x512xf32, #tpu.memory_space<hbm>>
        tpu.wait_dma2 semaphore(%arg13 : memref<!tpu.dma_semaphore, #tpu.memory_space<semaphore_mem>>) src(%arg9 : memref<12x8x512xf32, #tpu.memory_space<vmem>>) dst(%dma_wait3A_194 : memref<12x8x512xf32, #tpu.memory_space<hbm>>)
      } else {
      }
      %parallel_loop3A_127 = arith.constant 0 : i32
      %parallel_loop3A_128 = arith.constant 256 : i32
      %parallel_loop3A_129 = arith.constant 1 : i32
      scf.for %parallel_loop3A_184 = %parallel_loop3A_127 to %parallel_loop3A_128 step %parallel_loop3A_129  : i32 {
        %parallel_loop3A_185 = arith.constant 32 : i32
        %parallel_loop3A_186 = arith.divsi %parallel_loop3A_184, %parallel_loop3A_185 : i32
        %parallel_loop3A_187 = arith.constant 0 : i32
        %parallel_loop3A_188 = arith.cmpi sgt, %parallel_loop3A_184, %parallel_loop3A_187 : i32
        %parallel_loop3A_189 = arith.extui %parallel_loop3A_188 : i1 to i32
        %parallel_loop3A_190 = arith.constant 0 : i32
        %parallel_loop3A_191 = arith.cmpi slt, %parallel_loop3A_184, %parallel_loop3A_190 : i32
        %parallel_loop3A_192 = arith.extui %parallel_loop3A_191 : i1 to i32
        %parallel_loop3A_193 = arith.subi %parallel_loop3A_189, %parallel_loop3A_192 : i32
        %parallel_loop3A_194 = arith.constant 0 : i32
        %parallel_loop3A_195 = arith.cmpi sgt, %parallel_loop3A_185, %parallel_loop3A_194 : i32
        %parallel_loop3A_196 = arith.extui %parallel_loop3A_195 : i1 to i32
        %parallel_loop3A_197 = arith.constant 0 : i32
        %parallel_loop3A_198 = arith.cmpi slt, %parallel_loop3A_185, %parallel_loop3A_197 : i32
        %parallel_loop3A_199 = arith.extui %parallel_loop3A_198 : i1 to i32
        %parallel_loop3A_200 = arith.subi %parallel_loop3A_196, %parallel_loop3A_199 : i32
        %parallel_loop3A_201 = arith.cmpi ne, %parallel_loop3A_193, %parallel_loop3A_200 : i32
        %parallel_loop3A_202 = arith.remsi %parallel_loop3A_184, %parallel_loop3A_185 : i32
        %parallel_loop3A_203 = arith.constant 0 : i32
        %parallel_loop3A_204 = arith.cmpi ne, %parallel_loop3A_202, %parallel_loop3A_203 : i32
        %parallel_loop3A_205 = arith.andi %parallel_loop3A_201, %parallel_loop3A_204 : i1
        %parallel_loop3A_206 = arith.constant 1 : i32
        %parallel_loop3A_207 = arith.subi %parallel_loop3A_186, %parallel_loop3A_206 : i32
        %parallel_loop3A_208 = arith.select %parallel_loop3A_205, %parallel_loop3A_207, %parallel_loop3A_186 : i32
        %parallel_loop3A_209 = arith.constant 32 : i32
        %parallel_loop3A_210 = arith.constant 0 : i32
        %parallel_loop3A_211 = arith.cmpi eq, %parallel_loop3A_209, %parallel_loop3A_210 : i32
        %parallel_loop3A_212 = arith.constant 1 : i32
        %parallel_loop3A_213 = arith.select %parallel_loop3A_211, %parallel_loop3A_212, %parallel_loop3A_209 : i32
        %parallel_loop3A_214 = arith.remsi %parallel_loop3A_184, %parallel_loop3A_213 : i32
        %parallel_loop3A_215 = arith.constant 0 : i32
        %parallel_loop3A_216 = arith.cmpi ne, %parallel_loop3A_214, %parallel_loop3A_215 : i32
        %parallel_loop3A_217 = arith.constant 0 : i32
        %parallel_loop3A_218 = arith.cmpi slt, %parallel_loop3A_214, %parallel_loop3A_217 : i32
        %parallel_loop3A_219 = arith.constant 0 : i32
        %parallel_loop3A_220 = arith.cmpi slt, %parallel_loop3A_213, %parallel_loop3A_219 : i32
        %parallel_loop3A_221 = arith.xori %parallel_loop3A_218, %parallel_loop3A_220 : i1
        %parallel_loop3A_222 = arith.andi %parallel_loop3A_221, %parallel_loop3A_216 : i1
        %parallel_loop3A_223 = arith.addi %parallel_loop3A_214, %parallel_loop3A_213 : i32
        %parallel_loop3A_224 = arith.select %parallel_loop3A_222, %parallel_loop3A_223, %parallel_loop3A_214 : i32
        %parallel_loop3A_225 = arith.constant 16 : i32
        %parallel_loop3A_226 = arith.muli %parallel_loop3A_224, %parallel_loop3A_225 : i32
        %parallel_loop3A_227 = arith.index_cast %parallel_loop3A_208 : i32 to index
        %parallel_loop3A_228 = arith.index_cast %parallel_loop3A_226 : i32 to index
        %parallel_loop3A_229 = tpu.vector_load %arg7[%parallel_loop3A_227, %parallel_loop3A_228] {strides = array<i32>} : memref<8x512xi32, #tpu.memory_space<vmem>>, vector<16xi32>,
        %parallel_loop3A_230 = arith.constant 0 : i32
        %parallel_loop3A_231 = vector.broadcast %parallel_loop3A_230 : i32 to vector<16xi32>
        %parallel_loop3A_232 = arith.addi %parallel_loop3A_229, %parallel_loop3A_231 : vector<16xi32>
        %parallel_loop3A_233 = tpu.vector_load_idx %arg5[%parallel_loop3A_232] : memref<3120xi32, #tpu.memory_space<vmem>>[vector<16xi32>], vector<16xi32>,
        %parallel_loop3A_234 = arith.constant 16 : i32
        %parallel_loop3A_235 = vector.broadcast %parallel_loop3A_234 : i32 to vector<16xi32>
        %parallel_loop3A_236 = arith.shli %parallel_loop3A_233, %parallel_loop3A_235 : vector<16xi32>
        %parallel_loop3A_237 = vector.bitcast %parallel_loop3A_236 : vector<16xi32> to vector<16xf32>
        %parallel_loop3A_238 = arith.constant -65536 : i32
        %parallel_loop3A_239 = vector.broadcast %parallel_loop3A_238 : i32 to vector<16xi32>
        %parallel_loop3A_240 = arith.andi %parallel_loop3A_233, %parallel_loop3A_239 : vector<16xi32>
        %parallel_loop3A_241 = vector.bitcast %parallel_loop3A_240 : vector<16xi32> to vector<16xf32>
        %parallel_loop3A_242 = arith.constant 16 : i32
        %parallel_loop3A_243 = arith.muli %parallel_loop3A_224, %parallel_loop3A_242 : i32
        %parallel_loop3A_244 = arith.constant 0 : i32
        %parallel_loop3A_245 = arith.index_cast %parallel_loop3A_244 : i32 to index
        %parallel_loop3A_246 = arith.index_cast %parallel_loop3A_208 : i32 to index
        %parallel_loop3A_247 = arith.index_cast %parallel_loop3A_243 : i32 to index
        %parallel_loop3A_248 = tpu.vector_load %arg9[%parallel_loop3A_245, %parallel_loop3A_246, %parallel_loop3A_247] {strides = array<i32>} : memref<12x8x512xf32, #tpu.memory_space<vmem>>, vector<16xf32>,
        tpu.vector_store %arg9[%parallel_loop3A_245, %parallel_loop3A_246, %parallel_loop3A_247], %parallel_loop3A_237 {strides = array<i32>} : memref<12x8x512xf32, #tpu.memory_space<vmem>>, vector<16xf32>,
        %parallel_loop3A_249 = arith.constant 16 : i32
        %parallel_loop3A_250 = arith.muli %parallel_loop3A_224, %parallel_loop3A_249 : i32
        %parallel_loop3A_251 = arith.constant 1 : i32
        %parallel_loop3A_252 = arith.index_cast %parallel_loop3A_251 : i32 to index
        %parallel_loop3A_253 = arith.index_cast %parallel_loop3A_208 : i32 to index
        %parallel_loop3A_254 = arith.index_cast %parallel_loop3A_250 : i32 to index
        %parallel_loop3A_255 = tpu.vector_load %arg9[%parallel_loop3A_252, %parallel_loop3A_253, %parallel_loop3A_254] {strides = array<i32>} : memref<12x8x512xf32, #tpu.memory_space<vmem>>, vector<16xf32>,
        tpu.vector_store %arg9[%parallel_loop3A_252, %parallel_loop3A_253, %parallel_loop3A_254], %parallel_loop3A_241 {strides = array<i32>} : memref<12x8x512xf32, #tpu.memory_space<vmem>>, vector<16xf32>,
        %parallel_loop3A_256 = arith.constant 520 : i32
        %parallel_loop3A_257 = vector.broadcast %parallel_loop3A_256 : i32 to vector<16xi32>
        %parallel_loop3A_258 = arith.addi %parallel_loop3A_229, %parallel_loop3A_257 : vector<16xi32>
        %parallel_loop3A_259 = tpu.vector_load_idx %arg5[%parallel_loop3A_258] : memref<3120xi32, #tpu.memory_space<vmem>>[vector<16xi32>], vector<16xi32>,
        %parallel_loop3A_260 = arith.constant 16 : i32
        %parallel_loop3A_261 = vector.broadcast %parallel_loop3A_260 : i32 to vector<16xi32>
        %parallel_loop3A_262 = arith.shli %parallel_loop3A_259, %parallel_loop3A_261 : vector<16xi32>
        %parallel_loop3A_263 = vector.bitcast %parallel_loop3A_262 : vector<16xi32> to vector<16xf32>
        %parallel_loop3A_264 = arith.constant -65536 : i32
        %parallel_loop3A_265 = vector.broadcast %parallel_loop3A_264 : i32 to vector<16xi32>
        %parallel_loop3A_266 = arith.andi %parallel_loop3A_259, %parallel_loop3A_265 : vector<16xi32>
        %parallel_loop3A_267 = vector.bitcast %parallel_loop3A_266 : vector<16xi32> to vector<16xf32>
        %parallel_loop3A_268 = arith.constant 16 : i32
        %parallel_loop3A_269 = arith.muli %parallel_loop3A_224, %parallel_loop3A_268 : i32
        %parallel_loop3A_270 = arith.constant 2 : i32
        %parallel_loop3A_271 = arith.index_cast %parallel_loop3A_270 : i32 to index
        %parallel_loop3A_272 = arith.index_cast %parallel_loop3A_208 : i32 to index
        %parallel_loop3A_273 = arith.index_cast %parallel_loop3A_269 : i32 to index
        %parallel_loop3A_274 = tpu.vector_load %arg9[%parallel_loop3A_271, %parallel_loop3A_272, %parallel_loop3A_273] {strides = array<i32>} : memref<12x8x512xf32, #tpu.memory_space<vmem>>, vector<16xf32>,
        tpu.vector_store %arg9[%parallel_loop3A_271, %parallel_loop3A_272, %parallel_loop3A_273], %parallel_loop3A_263 {strides = array<i32>} : memref<12x8x512xf32, #tpu.memory_space<vmem>>, vector<16xf32>,
        %parallel_loop3A_275 = arith.constant 16 : i32
        %parallel_loop3A_276 = arith.muli %parallel_loop3A_224, %parallel_loop3A_275 : i32
        %parallel_loop3A_277 = arith.constant 3 : i32
        %parallel_loop3A_278 = arith.index_cast %parallel_loop3A_277 : i32 to index
        %parallel_loop3A_279 = arith.index_cast %parallel_loop3A_208 : i32 to index
        %parallel_loop3A_280 = arith.index_cast %parallel_loop3A_276 : i32 to index
        %parallel_loop3A_281 = tpu.vector_load %arg9[%parallel_loop3A_278, %parallel_loop3A_279, %parallel_loop3A_280] {strides = array<i32>} : memref<12x8x512xf32, #tpu.memory_space<vmem>>, vector<16xf32>,
        tpu.vector_store %arg9[%parallel_loop3A_278, %parallel_loop3A_279, %parallel_loop3A_280], %parallel_loop3A_267 {strides = array<i32>} : memref<12x8x512xf32, #tpu.memory_space<vmem>>, vector<16xf32>,
        %parallel_loop3A_282 = arith.constant 1040 : i32
        %parallel_loop3A_283 = vector.broadcast %parallel_loop3A_282 : i32 to vector<16xi32>
        %parallel_loop3A_284 = arith.addi %parallel_loop3A_229, %parallel_loop3A_283 : vector<16xi32>
        %parallel_loop3A_285 = tpu.vector_load_idx %arg5[%parallel_loop3A_284] : memref<3120xi32, #tpu.memory_space<vmem>>[vector<16xi32>], vector<16xi32>,
        %parallel_loop3A_286 = arith.constant 16 : i32
        %parallel_loop3A_287 = vector.broadcast %parallel_loop3A_286 : i32 to vector<16xi32>
        %parallel_loop3A_288 = arith.shli %parallel_loop3A_285, %parallel_loop3A_287 : vector<16xi32>
        %parallel_loop3A_289 = vector.bitcast %parallel_loop3A_288 : vector<16xi32> to vector<16xf32>
        %parallel_loop3A_290 = arith.constant -65536 : i32
        %parallel_loop3A_291 = vector.broadcast %parallel_loop3A_290 : i32 to vector<16xi32>
        %parallel_loop3A_292 = arith.andi %parallel_loop3A_285, %parallel_loop3A_291 : vector<16xi32>
        %parallel_loop3A_293 = vector.bitcast %parallel_loop3A_292 : vector<16xi32> to vector<16xf32>
        %parallel_loop3A_294 = arith.constant 16 : i32
        %parallel_loop3A_295 = arith.muli %parallel_loop3A_224, %parallel_loop3A_294 : i32
        %parallel_loop3A_296 = arith.constant 4 : i32
        %parallel_loop3A_297 = arith.index_cast %parallel_loop3A_296 : i32 to index
        %parallel_loop3A_298 = arith.index_cast %parallel_loop3A_208 : i32 to index
        %parallel_loop3A_299 = arith.index_cast %parallel_loop3A_295 : i32 to index
        %parallel_loop3A_300 = tpu.vector_load %arg9[%parallel_loop3A_297, %parallel_loop3A_298, %parallel_loop3A_299] {strides = array<i32>} : memref<12x8x512xf32, #tpu.memory_space<vmem>>, vector<16xf32>,
        tpu.vector_store %arg9[%parallel_loop3A_297, %parallel_loop3A_298, %parallel_loop3A_299], %parallel_loop3A_289 {strides = array<i32>} : memref<12x8x512xf32, #tpu.memory_space<vmem>>, vector<16xf32>,
        %parallel_loop3A_301 = arith.constant 16 : i32
        %parallel_loop3A_302 = arith.muli %parallel_loop3A_224, %parallel_loop3A_301 : i32
        %parallel_loop3A_303 = arith.constant 5 : i32
        %parallel_loop3A_304 = arith.index_cast %parallel_loop3A_303 : i32 to index
        %parallel_loop3A_305 = arith.index_cast %parallel_loop3A_208 : i32 to index
        %parallel_loop3A_306 = arith.index_cast %parallel_loop3A_302 : i32 to index
        %parallel_loop3A_307 = tpu.vector_load %arg9[%parallel_loop3A_304, %parallel_loop3A_305, %parallel_loop3A_306] {strides = array<i32>} : memref<12x8x512xf32, #tpu.memory_space<vmem>>, vector<16xf32>,
        tpu.vector_store %arg9[%parallel_loop3A_304, %parallel_loop3A_305, %parallel_loop3A_306], %parallel_loop3A_293 {strides = array<i32>} : memref<12x8x512xf32, #tpu.memory_space<vmem>>, vector<16xf32>,
        %parallel_loop3A_308 = arith.constant 1560 : i32
        %parallel_loop3A_309 = vector.broadcast %parallel_loop3A_308 : i32 to vector<16xi32>
        %parallel_loop3A_310 = arith.addi %parallel_loop3A_229, %parallel_loop3A_309 : vector<16xi32>
        %parallel_loop3A_311 = tpu.vector_load_idx %arg5[%parallel_loop3A_310] : memref<3120xi32, #tpu.memory_space<vmem>>[vector<16xi32>], vector<16xi32>,
        %parallel_loop3A_312 = arith.constant 16 : i32
        %parallel_loop3A_313 = vector.broadcast %parallel_loop3A_312 : i32 to vector<16xi32>
        %parallel_loop3A_314 = arith.shli %parallel_loop3A_311, %parallel_loop3A_313 : vector<16xi32>
        %parallel_loop3A_315 = vector.bitcast %parallel_loop3A_314 : vector<16xi32> to vector<16xf32>
        %parallel_loop3A_316 = arith.constant -65536 : i32
        %parallel_loop3A_317 = vector.broadcast %parallel_loop3A_316 : i32 to vector<16xi32>
        %parallel_loop3A_318 = arith.andi %parallel_loop3A_311, %parallel_loop3A_317 : vector<16xi32>
        %parallel_loop3A_319 = vector.bitcast %parallel_loop3A_318 : vector<16xi32> to vector<16xf32>
        %parallel_loop3A_320 = arith.constant 16 : i32
        %parallel_loop3A_321 = arith.muli %parallel_loop3A_224, %parallel_loop3A_320 : i32
        %parallel_loop3A_322 = arith.constant 6 : i32
        %parallel_loop3A_323 = arith.index_cast %parallel_loop3A_322 : i32 to index
        %parallel_loop3A_324 = arith.index_cast %parallel_loop3A_208 : i32 to index
        %parallel_loop3A_325 = arith.index_cast %parallel_loop3A_321 : i32 to index
        %parallel_loop3A_326 = tpu.vector_load %arg9[%parallel_loop3A_323, %parallel_loop3A_324, %parallel_loop3A_325] {strides = array<i32>} : memref<12x8x512xf32, #tpu.memory_space<vmem>>, vector<16xf32>,
        tpu.vector_store %arg9[%parallel_loop3A_323, %parallel_loop3A_324, %parallel_loop3A_325], %parallel_loop3A_315 {strides = array<i32>} : memref<12x8x512xf32, #tpu.memory_space<vmem>>, vector<16xf32>,
        %parallel_loop3A_327 = arith.constant 16 : i32
        %parallel_loop3A_328 = arith.muli %parallel_loop3A_224, %parallel_loop3A_327 : i32
        %parallel_loop3A_329 = arith.constant 7 : i32
        %parallel_loop3A_330 = arith.index_cast %parallel_loop3A_329 : i32 to index
        %parallel_loop3A_331 = arith.index_cast %parallel_loop3A_208 : i32 to index
        %parallel_loop3A_332 = arith.index_cast %parallel_loop3A_328 : i32 to index
        %parallel_loop3A_333 = tpu.vector_load %arg9[%parallel_loop3A_330, %parallel_loop3A_331, %parallel_loop3A_332] {strides = array<i32>} : memref<12x8x512xf32, #tpu.memory_space<vmem>>, vector<16xf32>,
        tpu.vector_store %arg9[%parallel_loop3A_330, %parallel_loop3A_331, %parallel_loop3A_332], %parallel_loop3A_319 {strides = array<i32>} : memref<12x8x512xf32, #tpu.memory_space<vmem>>, vector<16xf32>,
        %parallel_loop3A_334 = arith.constant 2080 : i32
        %parallel_loop3A_335 = vector.broadcast %parallel_loop3A_334 : i32 to vector<16xi32>
        %parallel_loop3A_336 = arith.addi %parallel_loop3A_229, %parallel_loop3A_335 : vector<16xi32>
        %parallel_loop3A_337 = tpu.vector_load_idx %arg5[%parallel_loop3A_336] : memref<3120xi32, #tpu.memory_space<vmem>>[vector<16xi32>], vector<16xi32>,
        %parallel_loop3A_338 = arith.constant 16 : i32
        %parallel_loop3A_339 = vector.broadcast %parallel_loop3A_338 : i32 to vector<16xi32>
        %parallel_loop3A_340 = arith.shli %parallel_loop3A_337, %parallel_loop3A_339 : vector<16xi32>
        %parallel_loop3A_341 = vector.bitcast %parallel_loop3A_340 : vector<16xi32> to vector<16xf32>
        %parallel_loop3A_342 = arith.constant -65536 : i32
        %parallel_loop3A_343 = vector.broadcast %parallel_loop3A_342 : i32 to vector<16xi32>
        %parallel_loop3A_344 = arith.andi %parallel_loop3A_337, %parallel_loop3A_343 : vector<16xi32>
        %parallel_loop3A_345 = vector.bitcast %parallel_loop3A_344 : vector<16xi32> to vector<16xf32>
        %parallel_loop3A_346 = arith.constant 16 : i32
        %parallel_loop3A_347 = arith.muli %parallel_loop3A_224, %parallel_loop3A_346 : i32
        %parallel_loop3A_348 = arith.constant 8 : i32
        %parallel_loop3A_349 = arith.index_cast %parallel_loop3A_348 : i32 to index
        %parallel_loop3A_350 = arith.index_cast %parallel_loop3A_208 : i32 to index
        %parallel_loop3A_351 = arith.index_cast %parallel_loop3A_347 : i32 to index
        %parallel_loop3A_352 = tpu.vector_load %arg9[%parallel_loop3A_349, %parallel_loop3A_350, %parallel_loop3A_351] {strides = array<i32>} : memref<12x8x512xf32, #tpu.memory_space<vmem>>, vector<16xf32>,
        tpu.vector_store %arg9[%parallel_loop3A_349, %parallel_loop3A_350, %parallel_loop3A_351], %parallel_loop3A_341 {strides = array<i32>} : memref<12x8x512xf32, #tpu.memory_space<vmem>>, vector<16xf32>,
        %parallel_loop3A_353 = arith.constant 16 : i32
        %parallel_loop3A_354 = arith.muli %parallel_loop3A_224, %parallel_loop3A_353 : i32
        %parallel_loop3A_355 = arith.constant 9 : i32
        %parallel_loop3A_356 = arith.index_cast %parallel_loop3A_355 : i32 to index
        %parallel_loop3A_357 = arith.index_cast %parallel_loop3A_208 : i32 to index
        %parallel_loop3A_358 = arith.index_cast %parallel_loop3A_354 : i32 to index
        %parallel_loop3A_359 = tpu.vector_load %arg9[%parallel_loop3A_356, %parallel_loop3A_357, %parallel_loop3A_358] {strides = array<i32>} : memref<12x8x512xf32, #tpu.memory_space<vmem>>, vector<16xf32>,
        tpu.vector_store %arg9[%parallel_loop3A_356, %parallel_loop3A_357, %parallel_loop3A_358], %parallel_loop3A_345 {strides = array<i32>} : memref<12x8x512xf32, #tpu.memory_space<vmem>>, vector<16xf32>,
        %parallel_loop3A_360 = arith.constant 2600 : i32
        %parallel_loop3A_361 = vector.broadcast %parallel_loop3A_360 : i32 to vector<16xi32>
        %parallel_loop3A_362 = arith.addi %parallel_loop3A_229, %parallel_loop3A_361 : vector<16xi32>
        %parallel_loop3A_363 = tpu.vector_load_idx %arg5[%parallel_loop3A_362] : memref<3120xi32, #tpu.memory_space<vmem>>[vector<16xi32>], vector<16xi32>,
        %parallel_loop3A_364 = arith.constant 16 : i32
        %parallel_loop3A_365 = vector.broadcast %parallel_loop3A_364 : i32 to vector<16xi32>
        %parallel_loop3A_366 = arith.shli %parallel_loop3A_363, %parallel_loop3A_365 : vector<16xi32>
        %parallel_loop3A_367 = vector.bitcast %parallel_loop3A_366 : vector<16xi32> to vector<16xf32>
        %parallel_loop3A_368 = arith.constant -65536 : i32
        %parallel_loop3A_369 = vector.broadcast %parallel_loop3A_368 : i32 to vector<16xi32>
        %parallel_loop3A_370 = arith.andi %parallel_loop3A_363, %parallel_loop3A_369 : vector<16xi32>
        %parallel_loop3A_371 = vector.bitcast %parallel_loop3A_370 : vector<16xi32> to vector<16xf32>
        %parallel_loop3A_372 = arith.constant 16 : i32
        %parallel_loop3A_373 = arith.muli %parallel_loop3A_224, %parallel_loop3A_372 : i32
        %parallel_loop3A_374 = arith.constant 10 : i32
        %parallel_loop3A_375 = arith.index_cast %parallel_loop3A_374 : i32 to index
        %parallel_loop3A_376 = arith.index_cast %parallel_loop3A_208 : i32 to index
        %parallel_loop3A_377 = arith.index_cast %parallel_loop3A_373 : i32 to index
        %parallel_loop3A_378 = tpu.vector_load %arg9[%parallel_loop3A_375, %parallel_loop3A_376, %parallel_loop3A_377] {strides = array<i32>} : memref<12x8x512xf32, #tpu.memory_space<vmem>>, vector<16xf32>,
        tpu.vector_store %arg9[%parallel_loop3A_375, %parallel_loop3A_376, %parallel_loop3A_377], %parallel_loop3A_367 {strides = array<i32>} : memref<12x8x512xf32, #tpu.memory_space<vmem>>, vector<16xf32>,
        %parallel_loop3A_379 = arith.constant 16 : i32
        %parallel_loop3A_380 = arith.muli %parallel_loop3A_224, %parallel_loop3A_379 : i32
        %parallel_loop3A_381 = arith.constant 11 : i32
        %parallel_loop3A_382 = arith.index_cast %parallel_loop3A_381 : i32 to index
        %parallel_loop3A_383 = arith.index_cast %parallel_loop3A_208 : i32 to index
        %parallel_loop3A_384 = arith.index_cast %parallel_loop3A_380 : i32 to index
        %parallel_loop3A_385 = tpu.vector_load %arg9[%parallel_loop3A_382, %parallel_loop3A_383, %parallel_loop3A_384] {strides = array<i32>} : memref<12x8x512xf32, #tpu.memory_space<vmem>>, vector<16xf32>,
        tpu.vector_store %arg9[%parallel_loop3A_382, %parallel_loop3A_383, %parallel_loop3A_384], %parallel_loop3A_371 {strides = array<i32>} : memref<12x8x512xf32, #tpu.memory_space<vmem>>, vector<16xf32>,
      } {sc.loop_unroll_factor = 4 : i64, sc.parallel_access}
      %jit3A_130 = arith.constant 4 : i32
      %div3A_131 = arith.divsi %add3A_108, %jit3A_130 : i32
      %sign3A_132 = arith.constant 0 : i32
      %sign3A_133 = arith.cmpi sgt, %add3A_108, %sign3A_132 : i32
      %sign3A_134 = arith.extui %sign3A_133 : i1 to i32
      %sign3A_135 = arith.constant 0 : i32
      %sign3A_136 = arith.cmpi slt, %add3A_108, %sign3A_135 : i32
      %sign3A_137 = arith.extui %sign3A_136 : i1 to i32
      %sign3A_138 = arith.subi %sign3A_134, %sign3A_137 : i32
      %sign3A_139 = arith.constant 0 : i32
      %sign3A_140 = arith.cmpi sgt, %jit3A_130, %sign3A_139 : i32
      %sign3A_141 = arith.extui %sign3A_140 : i1 to i32
      %sign3A_142 = arith.constant 0 : i32
      %sign3A_143 = arith.cmpi slt, %jit3A_130, %sign3A_142 : i32
      %sign3A_144 = arith.extui %sign3A_143 : i1 to i32
      %sign3A_145 = arith.subi %sign3A_141, %sign3A_144 : i32
      %ne3A_146 = arith.cmpi ne, %sign3A_138, %sign3A_145 : i32
      %rem3A_147 = arith.remsi %add3A_108, %jit3A_130 : i32
      %ne3A_148 = arith.constant 0 : i32
      %ne3A_149 = arith.cmpi ne, %rem3A_147, %ne3A_148 : i32
      %and3A_150 = arith.andi %ne3A_146, %ne3A_149 : i1
      %sub3A_151 = arith.constant 1 : i32
      %sub3A_152 = arith.subi %div3A_131, %sub3A_151 : i32
      %select_n3A_153 = arith.select %and3A_150, %sub3A_152, %div3A_131 : i32
      %add3A_154 = arith.addi %mul3A_2, %select_n3A_153 : i32
      %mul3A_155 = arith.constant 8 : i32
      %mul3A_156 = arith.muli %add3A_154, %mul3A_155 : i32
      %multiple_of3A_157 = tpu.assume_multiple %mul3A_156, 8 : i32
      %jit3A_158 = arith.constant 4 : i32
      %eq3A_159 = arith.constant 0 : i32
      %eq3A_160 = arith.cmpi eq, %jit3A_158, %eq3A_159 : i32
      %jit3A_161 = arith.constant 1 : i32
      %select_n3A_162 = arith.select %eq3A_160, %jit3A_161, %jit3A_158 : i32
      %rem3A_163 = arith.remsi %add3A_108, %select_n3A_162 : i32
      %ne3A_164 = arith.constant 0 : i32
      %ne3A_165 = arith.cmpi ne, %rem3A_163, %ne3A_164 : i32
      %lt3A_166 = arith.constant 0 : i32
      %lt3A_167 = arith.cmpi slt, %rem3A_163, %lt3A_166 : i32
      %lt3A_168 = arith.constant 0 : i32
      %lt3A_169 = arith.cmpi slt, %select_n3A_162, %lt3A_168 : i32
      %ne3A_170 = arith.xori %lt3A_167, %lt3A_169 : i1
      %and3A_171 = arith.andi %ne3A_170, %ne3A_165 : i1
      %add3A_172 = arith.addi %rem3A_163, %select_n3A_162 : i32
      %select_n3A_173 = arith.select %and3A_171, %add3A_172, %rem3A_163 : i32
      %mul3A_174 = arith.constant 512 : i32
      %mul3A_175 = arith.muli %select_n3A_173, %mul3A_174 : i32
      %multiple_of3A_176 = tpu.assume_multiple %mul3A_175, 512 : i32
      %dma_start3A_177 = arith.constant 0 : i32
      %dma_start3A_178 = arith.constant 0 : i32
      %dma_start3A_179 = tpu.memref_slice %arg4[%dma_start3A_177, %dma_start3A_178, %multiple_of3A_157, %multiple_of3A_176] : memref<1x12x2048x2048xf32, #tpu.memory_space<hbm>> -> memref<1x12x8x512xf32, #tpu.memory_space<hbm>>
      %dma_start3A_180 = tpu.memref_squeeze %dma_start3A_179 : memref<1x12x8x512xf32, #tpu.memory_space<hbm>> -> memref<12x8x512xf32, #tpu.memory_space<hbm>>
      %dma_start3A_181 = arith.constant 0 : i32
      %dma_start3A_182 = tpu.memref_slice %arg4[%dma_start3A_177, %dma_start3A_181, %multiple_of3A_157, %multiple_of3A_176] : memref<1x12x2048x2048xf32, #tpu.memory_space<hbm>> -> memref<1x12x8x512xf32, #tpu.memory_space<hbm>>
      %dma_start3A_183 = tpu.memref_squeeze %dma_start3A_182 : memref<1x12x8x512xf32, #tpu.memory_space<hbm>> -> memref<12x8x512xf32, #tpu.memory_space<hbm>>
      tpu.enqueue_dma source(%arg9 : memref<12x8x512xf32, #tpu.memory_space<vmem>>) target(%dma_start3A_183 : memref<12x8x512xf32, #tpu.memory_space<hbm>>) target_semaphore(%arg13 : memref<!tpu.dma_semaphore, #tpu.memory_space<semaphore_mem>>)
    }
    %scan3A_13 = arith.constant 16 : i32
    %dma_wait3A = arith.constant 0 : i32
    %dma_wait3A_14 = arith.constant 0 : i32
    %dma_wait3A_15 = arith.constant 0 : i32
    %dma_wait3A_16 = arith.constant 0 : i32
    %dma_wait3A_17 = tpu.memref_slice %arg4[%dma_wait3A, %dma_wait3A_14, %dma_wait3A_15, %dma_wait3A_16] : memref<1x12x2048x2048xf32, #tpu.memory_space<hbm>> -> memref<1x12x8x512xf32, #tpu.memory_space<hbm>>
    %dma_wait3A_18 = tpu.memref_squeeze %dma_wait3A_17 : memref<1x12x8x512xf32, #tpu.memory_space<hbm>> -> memref<12x8x512xf32, #tpu.memory_space<hbm>>
    %dma_wait3A_19 = arith.constant 0 : i32
    %dma_wait3A_20 = arith.constant 0 : i32
    %dma_wait3A_21 = arith.constant 0 : i32
    %dma_wait3A_22 = tpu.memref_slice %arg4[%dma_wait3A, %dma_wait3A_19, %dma_wait3A_20, %dma_wait3A_21] : memref<1x12x2048x2048xf32, #tpu.memory_space<hbm>> -> memref<1x12x8x512xf32, #tpu.memory_space<hbm>>
    %dma_wait3A_23 = tpu.memref_squeeze %dma_wait3A_22 : memref<1x12x8x512xf32, #tpu.memory_space<hbm>> -> memref<12x8x512xf32, #tpu.memory_space<hbm>>
    tpu.wait_dma2 semaphore(%arg12 : memref<!tpu.dma_semaphore, #tpu.memory_space<semaphore_mem>>) src(%arg8 : memref<12x8x512xf32, #tpu.memory_space<vmem>>) dst(%dma_wait3A_23 : memref<12x8x512xf32, #tpu.memory_space<hbm>>)
    %dma_wait3A_24 = arith.constant 0 : i32
    %dma_wait3A_25 = arith.constant 0 : i32
    %dma_wait3A_26 = arith.constant 0 : i32
    %dma_wait3A_27 = arith.constant 0 : i32
    %dma_wait3A_28 = tpu.memref_slice %arg4[%dma_wait3A_24, %dma_wait3A_25, %dma_wait3A_26, %dma_wait3A_27] : memref<1x12x2048x2048xf32, #tpu.memory_space<hbm>> -> memref<1x12x8x512xf32, #tpu.memory_space<hbm>>
    %dma_wait3A_29 = tpu.memref_squeeze %dma_wait3A_28 : memref<1x12x8x512xf32, #tpu.memory_space<hbm>> -> memref<12x8x512xf32, #tpu.memory_space<hbm>>
    %dma_wait3A_30 = arith.constant 0 : i32
    %dma_wait3A_31 = arith.constant 0 : i32
    %dma_wait3A_32 = arith.constant 0 : i32
    %dma_wait3A_33 = tpu.memref_slice %arg4[%dma_wait3A_24, %dma_wait3A_30, %dma_wait3A_31, %dma_wait3A_32] : memref<1x12x2048x2048xf32, #tpu.memory_space<hbm>> -> memref<1x12x8x512xf32, #tpu.memory_space<hbm>>
    %dma_wait3A_34 = tpu.memref_squeeze %dma_wait3A_33 : memref<1x12x8x512xf32, #tpu.memory_space<hbm>> -> memref<12x8x512xf32, #tpu.memory_space<hbm>>
    tpu.wait_dma2 semaphore(%arg13 : memref<!tpu.dma_semaphore, #tpu.memory_space<semaphore_mem>>) src(%arg9 : memref<12x8x512xf32, #tpu.memory_space<vmem>>) dst(%dma_wait3A_34 : memref<12x8x512xf32, #tpu.memory_space<hbm>>)
    return
  }
}

module attributes {stable_mosaic.version = 14 : i64} {
  func.func @_idx_body(%arg0: i32, %arg1: memref<256x2048xf32, #tpu.memory_space<vmem>>, %arg2: memref<256x2048xi32, #tpu.memory_space<vmem>>) attributes {dimension_semantics = [#tpu.dimension_semantics<arbitrary>], iteration_bounds = array<i64: 8>, scalar_prefetch = 0 : i64, scratch_operands = 0 : i64, tpu.core_type = #tpu.core_type<tc>, window_params = [{transform_indices = @transform_0, window_bounds = array<i64: 256, 2048>}, {transform_indices = @transform_1, window_bounds = array<i64: 256, 2048>}]} {
    %log3A = arith.constant 1.000000e-01 : f32
    %log3A_0 = math.log %log3A : f32
    %mul3A = arith.constant 0.434294492 : f32
    %mul3A_1 = arith.mulf %log3A_0, %mul3A : f32
    %log3A_2 = arith.constant 1.000000e+03 : f32
    %log3A_3 = math.log %log3A_2 : f32
    %mul3A_4 = arith.constant 0.434294492 : f32
    %mul3A_5 = arith.mulf %log3A_3, %mul3A_4 : f32
    %get3A = arith.constant 0 : index
    %get3A_6 = arith.constant 0 : index
    %get3A_7 = vector.load %arg1[%get3A, %get3A_6] : memref<256x2048xf32, #tpu.memory_space<vmem>>, vector<256x2048xf32>
    %jit3A = arith.constant 1.000000e-01 : f32
    %jit3A_8 = arith.constant 1.000000e+03 : f32
    %max3A = vector.broadcast %jit3A : f32 to vector<256x2048xf32>
    %max3A_9 = arith.maximumf %max3A, %get3A_7 : vector<256x2048xf32>
    %min3A = vector.broadcast %jit3A_8 : f32 to vector<256x2048xf32>
    %min3A_10 = arith.minimumf %min3A, %max3A_9 : vector<256x2048xf32>
    %log3A_11 = math.log %min3A_10 : vector<256x2048xf32>
    %mul3A_12 = arith.constant 0.434294492 : f32
    %mul3A_13 = vector.broadcast %mul3A_12 : f32 to vector<256x2048xf32>
    %mul3A_14 = arith.mulf %log3A_11, %mul3A_13 : vector<256x2048xf32>
    %sub3A = vector.broadcast %mul3A_1 : f32 to vector<256x2048xf32>
    %sub3A_15 = arith.subf %mul3A_14, %sub3A : vector<256x2048xf32>
    %sub3A_16 = arith.subf %mul3A_5, %mul3A_1 : f32
    %div3A = vector.broadcast %sub3A_16 : f32 to vector<256x2048xf32>
    %div3A_17 = arith.divf %sub3A_15, %div3A : vector<256x2048xf32>
    %mul3A_18 = arith.constant 5.120000e+02 : f32
    %mul3A_19 = vector.broadcast %mul3A_18 : f32 to vector<256x2048xf32>
    %mul3A_20 = arith.mulf %mul3A_19, %div3A_17 : vector<256x2048xf32>
    %convert_element_type3A = arith.fptosi %mul3A_20 : vector<256x2048xf32> to vector<256x2048xi32>
    %swap3A = arith.constant 0 : index
    %swap3A_21 = arith.constant 0 : index
    %swap3A_22 = vector.load %arg2[%swap3A, %swap3A_21] : memref<256x2048xi32, #tpu.memory_space<vmem>>, vector<256x2048xi32>
    tpu.vector_store %arg2[%swap3A, %swap3A_21], %convert_element_type3A {strides = array<i32>} : memref<256x2048xi32, #tpu.memory_space<vmem>>, vector<256x2048xi32>,
    return
  }
  func.func @transform_0(%arg0: i32) -> (i32, i32) {
    %c0_i32 = arith.constant 0 : i32
    %c0_i32_0 = arith.constant 0 : i32
    return %arg0, %c0_i32 : i32, i32
  }
  func.func @transform_1(%arg0: i32) -> (i32, i32) {
    %c0_i32 = arith.constant 0 : i32
    %c0_i32_0 = arith.constant 0 : i32
    return %arg0, %c0_i32 : i32, i32
  }
}

</mosaic_0001>

<sc_bundles>
// kernel: kernel.4.cloned.1.call-start
scs
__scs_entry_jumppad:
0x0: {  	(pc) =	sbr.rel $0x88, $3  }
0x1: {  	(tag) =	ssettag $0x0;
	lr =	simm.s32 $0x1  }
0x2: {  	[smem:$0x3F9F] =	sst lr;
	_ =	strace $0xD0000000  }
0x3: {  	_ = 	snop  }
0x4: {  	_ = 	snop  }
0x5: {  	_ = 	snop  }
0x6: {  	_ = 	snop  }
0x7: {  	_ = 	snop  }
__scs_overlays_trampoline_lowered:
0x8: {  	[smem:$0x3FAE] =	sst s0  }
0x9: {  	[smem:$0x3FAF] =	sst s1  }
0xa: {  	[smem:$0x3FB0] =	sst s2  }
0xb: {  	[smem:$0x3FB1] =	sst s3  }
0xc: {  	[smem:$0x3FB2] =	sst s4  }
0xd: {  	[smem:$0x3FB3] =	sst s5  }
0xe: {  	[smem:$0x3FB4] =	sst s6  }
0xf: {  	[smem:$0x3FB5] =	sst s7  }
0x10: {  	[smem:$0x3FB6] =	sst s8  }
0x11: {  	[smem:$0x3FB7] =	sst s9;
	s0 =	simm.s32 @!p0 $0x0  }
0x12: {  	s1 =	sld [smem:$0x3F9D];
	s0 =	simm.s32 @p0 $0x1  }
0x13: {  	[smem:$0x3FB8] =	sst s0;
	s0 =	simm.s32 @!p1 $0x0  }
0x14: {  	s2 =	sld [smem:$0x3F9C];
	s0 =	simm.s32 @p1 $0x1  }
0x15: {  	[smem:$0x3FB9] =	sst s0;
	s0 =	simm.s32 @!p2 $0x0  }
0x16: {  	s3 =	sld [smem:$0x3FDB];
	s0 =	simm.s32 @p2 $0x1  }
0x17: {  	s4 =	simm.s32 $0x1BF5;
	[smem:$0x3FBB] =	sst s0  }
0x18: {  	s0 =	sld [smem:$0x3F9E];
	_ =	swait.ge [sflag:s4], $0x0  }
0x19: {  	s7 =	sld [smem:$0x3F9F]  }
0x1a: {  	s8 =	sadd.s32 $0xFFFFE003, lr  }
0x1b: {  	s9 =	sadd.s32 $0xFFFFFEF7, lr;
	s5 =	simm.s32 $0xFFFFFFFF;
	p2 =	slt.u32 s8, $0xFFFFF086  }
0x1c: {  	p1 =	slt.u32 s9, $0xF7A;
	s5 =	simm.s32 @!p2 $0x0  }
0x1d: {  	s5 =	simm.s32 @p1 $0x1;
	p0 =	seq.s32 s7, s2  }
0x1e: {  	s7 =	smul.u32 @!p0 $0xF7A, s2;
	p2 =	seq.s32 @!p0 s5, $0x0  }
0x1f: {  	s9 =	smul.u32 $0xF7A, s1;
	s8 =	simm.s32 @!p0 $0x1BF5;
	p2 =	por !p2, p0  }
0x20: {  	[sflag:s8] =	ssyncset.s32 @!p0 $0xFFFFF086;
	s6 =	sadd.s32 @!p0 s3, s7;
	s7 =	simm.s32 @!p0 $0x108  }
0x21: {  	s3 =	sadd.s32 s3, s9;
	s6 =	sadd.s32 @!p0 $0x88, s6;
	s7 =	simm.s32 @p2 $0x1082  }
0x22: {  	[simem:s7], [sflag:s8] =	dma.local @!p0 [hbm:s6], $0xF7A  }
0x23: {  	s9 =	sor.u32 $0xD0000000, s2;
	s6 =	simm.s32 $0x108;
	_ =	swait.ge @!p0 [sflag:s8], $0x0  }
0x24: {  	s3 =	sadd.s32 $0x88, s3;
	s6 =	simm.s32 @!p1 $0x1082;
	[sflag:s4] =	ssyncset.s32 $0xFFFFF086  }
0x25: {  	[simem:s6], [sflag:s4] =	dma.local [hbm:s3], $0xF7A  }
0x26: {  	[smem:$0x3F9F] =	sst s1;
	(tag) =	ssettag s2;
	_ =	strace s9  }
0x27: {  	s1 =	sld [smem:$0x3FAF]  }
0x28: {  	s2 =	sld [smem:$0x3FB0]  }
0x29: {  	s4 =	sld [smem:$0x3FB2]  }
0x2a: {  	p0 =	seq.s32 s5, $0x0;
	s5 =	sld [smem:$0x3FB3]  }
0x2b: {  	s6 =	sld [smem:$0x3FB4]  }
0x2c: {  	s7 =	sld [smem:$0x3FB5]  }
0x2d: {  	s3 =	simm.s32 $0x108;
	s8 =	sld [smem:$0x3FB6]  }
0x2e: {  	s3 =	simm.s32 @!p0 $0x1082;
	s9 =	sld [smem:$0x3FB7]  }
0x2f: {  	lr =	sadd.s32 s0, s3;
	s0 =	sld [smem:$0x3FAE]  }
0x30: {  	s3 =	sld [smem:$0x3FB1]  }
0x31: {  	[smem:$0x3FBA] =	sst s10  }
0x32: {  	s10 =	sld [smem:$0x3FB8];
	_ =	sdelay $0x3  }
0x33: {  	p0 =	seq.s32 s10, $0x1;
	s10 =	sld [smem:$0x3FBA];
	_ =	sdelay $0x3  }
0x34: {  	[smem:$0x3FBA] =	sst s10  }
0x35: {  	s10 =	sld [smem:$0x3FB9];
	_ =	sdelay $0x3  }
0x36: {  	p1 =	seq.s32 s10, $0x1;
	s10 =	sld [smem:$0x3FBA];
	_ =	sdelay $0x3  }
0x37: {  	[smem:$0x3FBA] =	sst s10  }
0x38: {  	s10 =	sld [smem:$0x3FBB]  }
0x39: {  	_ = 	snop;
	(pc) =	sbr.ind lr, $3  }
0x3a: {  	_ = 	snop  }
0x3b: {  	_ = 	snop  }
0x3c: {  	p2 =	seq.s32 s10, $0x1;
	s10 =	sld [smem:$0x3FBA]  }
0x3d: {  	_ =	shalt  }
0x3e: {  	_ =	shalt  }
0x3f: {  	_ =	shalt  }
0x40: {  	_ =	shalt  }
0x41: {  	_ =	shalt  }
0x42: {  	_ =	shalt  }
0x43: {  	_ =	shalt  }
0x44: {  	_ =	shalt  }
0x45: {  	_ =	shalt  }
0x46: {  	_ =	shalt  }
0x47: {  	_ =	shalt  }
0x48: {  	_ =	shalt  }
0x49: {  	_ =	shalt  }
0x4a: {  	_ =	shalt  }
0x4b: {  	_ =	shalt  }
0x4c: {  	_ =	shalt  }
0x4d: {  	_ =	shalt  }
0x4e: {  	_ =	shalt  }
0x4f: {  	_ =	shalt  }
0x50: {  	_ =	shalt  }
0x51: {  	_ =	shalt  }
0x52: {  	_ =	shalt  }
0x53: {  	_ =	shalt  }
0x54: {  	_ =	shalt  }
0x55: {  	_ =	shalt  }
0x56: {  	_ =	shalt  }
0x57: {  	_ =	shalt  }
0x58: {  	_ =	shalt  }
0x59: {  	_ =	shalt  }
0x5a: {  	_ =	shalt  }
0x5b: {  	_ =	shalt  }
0x5c: {  	_ =	shalt  }
0x5d: {  	_ =	shalt  }
0x5e: {  	_ =	shalt  }
0x5f: {  	_ =	shalt  }
0x60: {  	_ =	shalt  }
0x61: {  	_ =	shalt  }
0x62: {  	_ =	shalt  }
0x63: {  	_ =	shalt  }
0x64: {  	_ =	shalt  }
0x65: {  	_ =	shalt  }
0x66: {  	_ =	shalt  }
0x67: {  	_ =	shalt  }
0x68: {  	_ =	shalt  }
0x69: {  	_ =	shalt  }
0x6a: {  	_ =	shalt  }
0x6b: {  	_ =	shalt  }
0x6c: {  	_ =	shalt  }
0x6d: {  	_ =	shalt  }
0x6e: {  	_ =	shalt  }
0x6f: {  	_ =	shalt  }
0x70: {  	_ =	shalt  }
0x71: {  	_ =	shalt  }
0x72: {  	_ =	shalt  }
0x73: {  	_ =	shalt  }
0x74: {  	_ =	shalt  }
0x75: {  	_ =	shalt  }
0x76: {  	_ =	shalt  }
0x77: {  	_ =	shalt  }
0x78: {  	_ =	shalt  }
0x79: {  	_ =	shalt  }
0x7a: {  	_ =	shalt  }
0x7b: {  	_ =	shalt  }
0x7c: {  	_ =	shalt  }
0x7d: {  	_ =	shalt  }
0x7e: {  	_ =	shalt  }
0x7f: {  	_ =	shalt  }
0x80: {  	_ =	shalt  }
0x81: {  	_ =	shalt  }
0x82: {  	_ =	shalt  }
0x83: {  	_ =	shalt  }
0x84: {  	_ =	shalt  }
0x85: {  	_ =	shalt  }
0x86: {  	_ =	shalt  }
0x87: {  	_ =	shalt  }
.Lfunc_end0:
.L_simem_size_0:
called_computation_lowered:
.L_overlay_start_0:
0x88: {  	s2 =	sld [smem:$0x3FD9]  }
0x89: {  	s3 =	sld [smem:$0x3FFE];
	_ =	sdelay $0x1  }
0x8a: {  	s1 =	srdreg.scid  }
0x8b: {  	s0 =	sand.u32 $0x1, s1  }
0x8c: {  	s17 =	sshll.u32 s0, $0xA;
	s2 =	sadd.s32 s3, s2  }
0x8d: {  	s2 =	sadd.s32 s2, s17  }
0x8e: {  	[smem:$0x3FC6] =	sst s2  }
0x8f: {  	_ = 	snop  }
0x90: {  	s2 =	sld [smem:$0x3FD0];
	(tm) =	ssettm $0x1  }
0x91: {  	s18 =	sld [smem:$0x3FFB];
	_ =	sdelay $0x3  }
0x92: {  	_ =	strace s18  }
0x93: {  	s3 =	sld [smem:$0x3FFC];
	_ =	sdelay $0x3  }
0x94: {  	_ =	strace s3  }
0x95: {  	s3 =	sld [smem:$0x3FFD];
	_ =	sdelay $0x3  }
0x96: {  	_ =	strace s3  }
0x97: {  	_ =	strace $0x8FFFFFFF  }
0x98: {  	s19 =	sld [smem:$0x3FDB];
	_ =	sdelay $0x1  }
0x99: {  	s4 =	simm.s32 $_scs_section_size  }
0x9a: {  	s5 =	simm.s32 $_size__tile_overlayer_lowered;
	s6 =	simm.s32 $_tile_overlayer_lowered  }
0x9b: {  	s22 =	simm.s32 $0x1BFF;
	s21 =	sshll.u32 s6, $0x1;
	s3 =	sadd.s32 s4, s19  }
0x9c: {  	s7 =	simm.s32 $0x0;
	s20 =	sshll.u32 s5, $0x1;
	s5 =	sadd.s32 s21, s3  }
0x9d: {  	[timem:s7], [sflag:s22] =	dma.local [hbm:s5], s20  }
0x9e: {  	_ =	swait.ge [sflag:s22], s20  }
0x9f: {  	s4 =	ssub.s32 $0x0, s20;
	[sflag:s22] =	ssyncset.done $0x0  }
0xa0: {  	[sflag:s22] =	ssyncadd.s32 s4;
	_ =	sdelay $0x1  }
0xa1: {  	s23 =	simm.s32 $0x1B8B  }
0xa2: {  	_ =	swait.ge [sflag:s23], $0x1  }
0xa3: {  	[sflag:s23] =	ssyncset.done $0x0  }
0xa4: {  	s25 =	simm.s32 $0x1B8E;
	s24 =	sld [smem:$0x3FFE];
	[sflag:s23] =	ssyncadd.s32 $0xFFFFFFFF  }
0xa5: {  	s26 =	simm.s32 $execute0_lowered;
	[smem:$0x3FD2] =	sst s25  }
0xa6: {  	s5 =	sshll.u32 s26, $0x1;
	_ =	strace $0x80000046;
	[dreg:$0x1] =	wrdreg $0xFFFFFFFF  }
0xa7: {  	s28 =	simm.s32 $_size_execute0_lowered;
	s3 =	sadd.s32 s3, s5;
	[dreg:$0x0] =	wrdreg $0x0  }
0xa8: {  	s5 =	sshll.u32 s28, $0x1;
	[dreg:$0x2] =	wrdreg s3  }
0xa9: {  	[dreg:$0x3] =	wrdreg s5  }
0xaa: {  	[dreg:$0x4] =	wrdreg $0xC0  }
0xab: {  	_ =	task [dreg:s7], $0x5FFFF  }
0xac: {  	[dreg:$0x1] =	wrdreg $0xFFFFFFFF  }
0xad: {  	[dreg:$0x0] =	wrdreg $0x60  }
0xae: {  	[dreg:$0x2] =	wrdreg s24  }
0xaf: {  	[dreg:$0x3] =	wrdreg s2  }
0xb0: {  	[dreg:$0x4] =	wrdreg $0x9  }
0xb1: {  	_ =	task.clear_ibuf [dreg:s7], $0x5FFFF;
	_ =	strace $0x90000046  }
0xb2: {  	s29 =	simm.s32 $0x9;
	_ =	strace $0x80000048  }
0xb3: {  	_ =	swait.ge [sflag:s29], $0x1  }
0xb4: {  	[sflag:s29] =	ssyncadd.s32 $0xFFFFFFFF  }
0xb5: {  	_ =	strace $0x90000048  }
0xb6: {  	_ =	sfence  }
0xb7: {  	s30 =	sld [smem:$0x0];
	_ =	sdelay $0x2  }
0xb8: {  	s31 =	sshll.u32 s1, $0xD;
	s1 =	sshrl.u32 s1, $0x2  }
0xb9: {  	s3 =	sand.u32 $0x4000, s31;
	s1 =	sadd.s32 s1, s30  }
0xba: {  	s0 =	sor.u32 s3, s0;
	s1 =	sshll.u32 s1, $0x11  }
0xbb: {  	s0 =	sor.u32 s1, s0  }
0xbc: {  	s0 =	sadd.s32 $0x8F2B, s0  }
0xbd: {  	[sflag:s0] =	ssyncadd.remote.s32 $0x1  }
0xbe: {  	_ =	sfence.sel $0xFFFF  }
0xbf: {  	[dreg:$0x0] =	wrdreg $0xFFFFFFFF;
	(pc) =	sbr.abs _section_cstart, $3  }
0xc0: {  	[dreg:$0x1] =	wrdreg $0xFFFFFFFF  }
0xc1: {  	_ =	task.clear_ibuf [dreg:s7], $0x2FFFF;
	_ =	strace $0x9FFFFFFF  }
0xc2: {  	(tm) =	ssettm $0x7FFFFFFF  }
0xc3: {  	_ =	shalt  }
tec
execute0_lowered:
.L_overlay_start_1:
0x0: {  	(tag) =	ssettag $0x1  }
0x1: {  	s0 =	rddreg [dreg:$0x0];
	s3 =	simm.s32 $0x0;
	s1 =	srdreg.scid  }
0x2: {  	s4 =	stileid.u32;
	[smem:$0x7FF] =	sst s3  }
0x3: {  	s1 =	sand.u32 $0x1, s1;
	s6 =	sadd.s32 $0x400, s0;
	s0 =	sadd.s32 $0x200, s0  }
0x4: {  	s4 =	sshll.u32 s4, $0x1;
	_ =	strace $0x80000047;
	[dreg:$0x10] =	wrdreg s0  }
0x5: {  	s2 =	ssub.s32 $0x2, s1;
	s1 =	sor.u32 s1, s4;
	[dreg:$0xf] =	wrdreg s6  }
0x6: {  	s5 =	sshrl.u32 s2, $0x1;
	s30 =	sshll.u32 s1, $0xE;
	s1 =	sshll.u32 s1, $0x3  }
0x7: {  	s29 =	ssub.s32 s2, s5;
	[dreg:$0x11] =	wrdreg s1;
	s31 =	sadd.s32 s6, s30  }
0x8: {  	[dreg:$0x12] =	wrdreg s31;
	s0 =	smax.u32 s29, $0x1  }
0x9: {  	s2 =	simm.s32 $0x0;
	[dreg:$0x13] =	wrdreg s0  }
.LBB2_1:
0xa: {  	[dreg:$0x14] =	wrdreg s2  }
0xb: {  	s0 =	rddreg [dreg:$0x10];
	s30 =	simm.s32 $0x5  }
0xc: {  	[tilespmem:s3], [sflag:$0x5] =	stream.linear.gather [hbm4b:s0+s3], $0xC80, $0x38;
	[tilespmem:$0x1AC80] =	vst v63  }
0xd: {  	_ =	swait.ge [sflag:s30], $0xC80  }
0xe: {  	s1 =	simm.s32 $0xC80;
	[sflag:s30] =	ssyncset.done $0x0  }
0xf: {  	s14 =	simm.s32 $0x0;
	s31 =	rddreg [dreg:$0x12];
	[sflag:s30] =	ssyncadd.s32 $0xFFFFF380  }
0x10: {  	[tilespmem:s1], [sflag:$0x1] =	stream.linear.gather [hbm4b:s31+s3], $0x1000, $0x38;
	[tilespmem:$0x1AC80] =	vst v63  }
.LBB2_2:
0x11: {  	s0 =	sshrl.u32 s14, $0x1;
	s1 =	rddreg [dreg:$0x11]  }
0x12: {  	s12 =	sshll.u32 s14, $0xA;
	s0 =	sor.u32 s1, s0  }
0x13: {  	s13 =	rddreg [dreg:$0xf];
	s1 =	sand.u32 $0x400, s12;
	s0 =	sshll.u32 s0, $0xB  }
0x14: {  	[dreg:$0x17] =	wrdreg s0;
	s0 =	sor.u32 s0, s1  }
0x15: {  	s15 =	simm.s32 $0x1C80;
	[dreg:$0x18] =	wrdreg s1;
	s1 =	sor.u32 $0x200, s0  }
0x16: {  	s16 =	simm.s32 $0x1;
	[dreg:$0x16] =	wrdreg s1;
	s0 =	sadd.s32 s13, s1  }
0x17: {  	[tilespmem:s15], [sflag:$0x2] =	stream.linear.gather [hbm4b:s0+s3], $0x1000, $0x38;
	[tilespmem:$0x1AC80] =	vst v63  }
0x18: {  	_ =	swait.ge [sflag:s16], $0x1000  }
0x19: {  	p0 =	seq.s32 s14, $0x0;
	s17 =	simm.s32 $0x0;
	[sflag:s16] =	ssyncset.done $0x0  }
0x1a: {  	s2 =	simm.s32 @!p0 $0x3;
	s10 =	sand.u32 $0x40, s17;
	[sflag:s16] =	ssyncadd.s32 $0xFFFFF000  }
0x1b: {  	s18 =	sand.u32 $0xC00, s17;
	s0 =	sand.u32 $0x380, s17;
	_ =	swait.ge @!p0 [sflag:s2], $0xC000  }
0x1c: {  	s1 =	sor.u32 s0, s18;
	s0 =	sor.u32 $0x30, s10;
	[sflag:s2] =	ssyncset.done @!p0 $0x0  }
0x1d: {  	s19 =	sor.u32 s0, s1;
	[sflag:s2] =	ssyncadd.s32 @!p0 $0xFFFF4000  }
0x1e: {  	v4 =	vld [tilespmem:s19+$0xC80];
	_ =	sdelay $0x2  }
0x1f: {  	s4 =	sor.u32 s10, s1  }
0x20: {  	s11 =	sor.u32 $0x10, s10;
	v3 =	vld [tilespmem:s4+$0xC80]  }
0x21: {  	s5 =	sor.u32 s11, s1  }
0x22: {  	v2 =	vld [tilespmem:s5+$0xC80];
	_ =	sdelay $0x1  }
0x23: {  	s15 =	sor.u32 $0x20, s10;
	v0 =	vld.idx.msk [tilespmem:v4+s3+$0x0], $0xffff  }
0x24: {  	s6 =	sor.u32 s15, s1  }
0x25: {  	v1 =	vld [tilespmem:s6+$0xC80]  }
0x26: {  	v5 =	vadd.s32 $0x208, v4  }
0x27: {  	v6 =	vld.idx.msk [tilespmem:v3+s3+$0x0], $0xffff  }
0x28: {  	s7 =	sadd.s32 $0x3C80, s1;
	v7 =	vshll.u32 v0, $0x10  }
0x29: {  	s20 =	sor.u32 s0, s7;
	v8 =	vld.idx.msk [tilespmem:v2+s3+$0x0], $0xffff;
	v0 =	vand.u32 $0xFFFF0000, v0;
	[tilespmem:s19+$0x2C80] =	vst v7  }
0x2a: {  	v7 =	vadd.s32 $0x208, v3;
	[tilespmem:s20+$0x0] =	vst v0  }
0x2b: {  	v0 =	vld.idx.msk [tilespmem:v5+s3+$0x0], $0xffff  }
0x2c: {  	v9 =	vshll.u32 v6, $0x10;
	v5 =	vadd.s32 $0x208, v2  }
0x2d: {  	s21 =	sor.u32 s10, s7;
	v10 =	vld.idx.msk [tilespmem:v1+s3+$0x0], $0xffff;
	v6 =	vand.u32 $0xFFFF0000, v6;
	[tilespmem:s4+$0x2C80] =	vst v9  }
0x2e: {  	v9 =	vshll.u32 v8, $0x10;
	[tilespmem:s21+$0x0] =	vst v6;
	v6 =	vadd.s32 $0x410, v4  }
0x2f: {  	s23 =	sadd.s32 $0x4C80, s1;
	s22 =	sor.u32 s11, s7;
	v8 =	vand.u32 $0xFFFF0000, v8;
	[tilespmem:s5+$0x2C80] =	vst v9;
	v7 =	vld.idx.msk [tilespmem:v7+s3+$0x0], $0xffff  }
0x30: {  	s24 =	sadd.s32 $0x5C80, s1;
	s25 =	sor.u32 s0, s23;
	v9 =	vadd.s32 $0x208, v1;
	[tilespmem:s22+$0x0] =	vst v8;
	v8 =	vshll.u32 v0, $0x10  }
0x31: {  	s26 =	sor.u32 s0, s24;
	v5 =	vld.idx.msk [tilespmem:v5+s3+$0x0], $0xffff;
	v0 =	vand.u32 $0xFFFF0000, v0;
	[tilespmem:s25+$0x0] =	vst v8  }
0x32: {  	v11 =	vshll.u32 v10, $0x10;
	v8 =	vadd.s32 $0x410, v3;
	[tilespmem:s26+$0x0] =	vst v0  }
0x33: {  	s31 =	sor.u32 s15, s7;
	[tilespmem:s6+$0x2C80] =	vst v11;
	v0 =	vand.u32 $0xFFFF0000, v10;
	v6 =	vld.idx.msk [tilespmem:v6+s3+$0x0], $0xffff  }
0x34: {  	s7 =	sor.u32 s10, s23;
	v10 =	vadd.s32 $0x410, v2;
	[tilespmem:s31+$0x0] =	vst v0;
	v0 =	vshll.u32 v7, $0x10  }
0x35: {  	s8 =	sor.u32 s10, s24;
	v7 =	vand.u32 $0xFFFF0000, v7;
	v9 =	vld.idx.msk [tilespmem:v9+s3+$0x0], $0xffff;
	[tilespmem:s7+$0x0] =	vst v0  }
0x36: {  	s9 =	sor.u32 s11, s23;
	[tilespmem:s8+$0x0] =	vst v7;
	v0 =	vshll.u32 v5, $0x10;
	v7 =	vadd.s32 $0x618, v4  }
0x37: {  	s13 =	sadd.s32 $0x6C80, s1;
	s12 =	sor.u32 s11, s24;
	v5 =	vand.u32 $0xFFFF0000, v5;
	v8 =	vld.idx.msk [tilespmem:v8+s3+$0x0], $0xffff;
	[tilespmem:s9+$0x0] =	vst v0  }
0x38: {  	s16 =	sadd.s32 $0x7C80, s1;
	s17 =	sor.u32 s0, s13;
	v0 =	vadd.s32 $0x410, v1;
	[tilespmem:s12+$0x0] =	vst v5;
	v5 =	vshll.u32 v6, $0x10  }
0x39: {  	s18 =	sor.u32 s0, s16;
	v10 =	vld.idx.msk [tilespmem:v10+s3+$0x0], $0xffff;
	v6 =	vand.u32 $0xFFFF0000, v6;
	[tilespmem:s17+$0x0] =	vst v5  }
0x3a: {  	s4 =	sor.u32 s15, s23;
	v5 =	vadd.s32 $0x618, v3;
	v11 =	vshll.u32 v9, $0x10;
	[tilespmem:s18+$0x0] =	vst v6  }
0x3b: {  	s2 =	sor.u32 s15, s24;
	v6 =	vand.u32 $0xFFFF0000, v9;
	[tilespmem:s4+$0x0] =	vst v11;
	v7 =	vld.idx.msk [tilespmem:v7+s3+$0x0], $0xffff  }
0x3c: {  	s19 =	sor.u32 s10, s13;
	v9 =	vadd.s32 $0x618, v2;
	[tilespmem:s2+$0x0] =	vst v6;
	v6 =	vshll.u32 v8, $0x10  }
0x3d: {  	s20 =	sor.u32 s10, s16;
	v8 =	vand.u32 $0xFFFF0000, v8;
	v0 =	vld.idx.msk [tilespmem:v0+s3+$0x0], $0xffff;
	[tilespmem:s19+$0x0] =	vst v6  }
0x3e: {  	s21 =	sor.u32 s11, s13;
	[tilespmem:s20+$0x0] =	vst v8;
	v6 =	vshll.u32 v10, $0x10;
	v8 =	vadd.s32 $0x820, v4  }
0x3f: {  	s23 =	sadd.s32 $0x8C80, s1;
	s22 =	sor.u32 s11, s16;
	v10 =	vand.u32 $0xFFFF0000, v10;
	v5 =	vld.idx.msk [tilespmem:v5+s3+$0x0], $0xffff;
	[tilespmem:s21+$0x0] =	vst v6  }
0x40: {  	s24 =	sadd.s32 $0x9C80, s1;
	s25 =	sor.u32 s0, s23;
	v6 =	vadd.s32 $0x618, v1;
	[tilespmem:s22+$0x0] =	vst v10;
	v10 =	vshll.u32 v7, $0x10  }
0x41: {  	s6 =	sor.u32 s15, s16;
	s5 =	sor.u32 s15, s13;
	s26 =	sor.u32 s0, s24;
	v9 =	vld.idx.msk [tilespmem:v9+s3+$0x0], $0xffff;
	v7 =	vand.u32 $0xFFFF0000, v7;
	[tilespmem:s25+$0x0] =	vst v10  }
0x42: {  	s31 =	simm.s32 $0x40;
	s8 =	simm.s32 $0x200;
	s9 =	simm.s32 $0x10;
	v11 =	vshll.u32 v0, $0x10;
	[tilespmem:s26+$0x0] =	vst v7  }
0x43: {  	s8 =	sand.u32 $0xC00, s8;
	s12 =	sand.u32 $0x380, s9;
	v10 =	vadd.s32 $0x820, v3;
	v0 =	vand.u32 $0xFFFF0000, v0;
	s25 =	sand.u32 $0x40, s31;
	[tilespmem:s5+$0x0] =	vst v11;
	v7 =	vld.idx.msk [tilespmem:v8+s3+$0x0], $0xffff  }
0x44: {  	s13 =	sor.u32 s10, s23;
	s26 =	sor.u32 s12, s8;
	s28 =	sor.u32 $0x30, s25;
	[tilespmem:s6+$0x0] =	vst v0;
	v0 =	vshll.u32 v5, $0x10  }
0x45: {  	s16 =	sor.u32 s10, s24;
	v11 =	vadd.s32 $0x820, v2;
	s29 =	sor.u32 $0x10, s25;
	v5 =	vand.u32 $0xFFFF0000, v5;
	s5 =	sor.u32 s28, s26;
	v6 =	vld.idx.msk [tilespmem:v6+s3+$0x0], $0xffff;
	[tilespmem:s13+$0x0] =	vst v0  }
0x46: {  	s17 =	sor.u32 s11, s23;
	s6 =	sor.u32 s29, s26;
	v0 =	vld [tilespmem:s5+$0xC80];
	[tilespmem:s16+$0x0] =	vst v5;
	v5 =	vshll.u32 v9, $0x10  }
0x47: {  	v12 =	vadd.s32 $0xA28, v4;
	s18 =	sor.u32 s11, s24;
	s12 =	sadd.s32 $0xAC80, s1;
	v8 =	vld [tilespmem:s6+$0xC80];
	v4 =	vand.u32 $0xFFFF0000, v9;
	[tilespmem:s17+$0x0] =	vst v5  }
0x48: {  	s2 =	sadd.s32 $0xBC80, s1;
	s9 =	sor.u32 s25, s26;
	s19 =	sor.u32 s0, s12;
	v13 =	vld.idx.msk [tilespmem:v10+s3+$0x0], $0xffff;
	v5 =	vadd.s32 $0x820, v1;
	[tilespmem:s18+$0x0] =	vst v4;
	v9 =	vshll.u32 v7, $0x10  }
0x49: {  	s20 =	sor.u32 s0, s2;
	s30 =	sor.u32 $0x20, s25;
	v4 =	vld [tilespmem:s9+$0xC80];
	v7 =	vand.u32 $0xFFFF0000, v7;
	[tilespmem:s19+$0x0] =	vst v9  }
0x4a: {  	s7 =	sor.u32 s15, s23;
	s21 =	sor.u32 s30, s26;
	v11 =	vld.idx.msk [tilespmem:v11+s3+$0x0], $0xffff;
	v9 =	vshll.u32 v6, $0x10;
	[tilespmem:s20+$0x0] =	vst v7  }
0x4b: {  	s4 =	sor.u32 s15, s24;
	v10 =	vld [tilespmem:s21+$0xC80];
	v6 =	vand.u32 $0xFFFF0000, v6;
	[tilespmem:s7+$0x0] =	vst v9  }
0x4c: {  	v9 =	vld.idx.msk [tilespmem:v12+s3+$0x0], $0xffff;
	[tilespmem:s4+$0x0] =	vst v6  }
0x4d: {  	s22 =	sor.u32 s10, s12;
	v6 =	vshll.u32 v13, $0x10;
	v5 =	vld.idx.msk [tilespmem:v5+s3+$0x0], $0xffff  }
0x4e: {  	s23 =	sor.u32 s10, s2;
	v7 =	vand.u32 $0xFFFF0000, v13;
	[tilespmem:s22+$0x0] =	vst v6;
	v6 =	vld.idx.msk [tilespmem:v0+s3+$0x0], $0xffff  }
0x4f: {  	s13 =	sor.u32 s11, s12;
	[tilespmem:s23+$0x0] =	vst v7;
	v7 =	vshll.u32 v11, $0x10  }
0x50: {  	s31 =	sor.u32 s11, s2;
	s4 =	sadd.s32 $0xDC80, s1;
	v11 =	vand.u32 $0xFFFF0000, v11;
	[tilespmem:s13+$0x0] =	vst v7  }
0x51: {  	s24 =	sor.u32 s0, s4;
	v12 =	vld.idx.msk [tilespmem:v4+s3+$0x0], $0xffff;
	[tilespmem:s31+$0x0] =	vst v11;
	v7 =	vand.u32 $0xFFFF0000, v9  }
0x52: {  	s12 =	sor.u32 s15, s12;
	v13 =	vadd.s32 $0x208, v0;
	[tilespmem:s24+$0x0] =	vst v7;
	v14 =	vshll.u32 v5, $0x10  }
0x53: {  	s16 =	sadd.s32 $0x3C80, s26;
	v7 =	vld.idx.msk [tilespmem:v8+s3+$0x0], $0xffff;
	v11 =	vshll.u32 v6, $0x10;
	[tilespmem:s12+$0x0] =	vst v14  }
0x54: {  	s17 =	sor.u32 s28, s16;
	v6 =	vand.u32 $0xFFFF0000, v6;
	v14 =	vadd.s32 $0x208, v4;
	[tilespmem:s5+$0x2C80] =	vst v11  }
0x55: {  	s2 =	sor.u32 s15, s2;
	v15 =	vld.idx.msk [tilespmem:v10+s3+$0x0], $0xffff;
	v5 =	vand.u32 $0xFFFF0000, v5;
	[tilespmem:s17+$0x0] =	vst v6  }
0x56: {  	v6 =	vadd.s32 $0x208, v8;
	[tilespmem:s2+$0x0] =	vst v5;
	v11 =	vshll.u32 v12, $0x10  }
0x57: {  	s18 =	sor.u32 s25, s16;
	v12 =	vand.u32 $0xFFFF0000, v12;
	v13 =	vld.idx.msk [tilespmem:v13+s3+$0x0], $0xffff;
	[tilespmem:s9+$0x2C80] =	vst v11  }
0x58: {  	v11 =	vshll.u32 v7, $0x10;
	[tilespmem:s18+$0x0] =	vst v12;
	v12 =	vadd.s32 $0x208, v10  }
0x59: {  	s19 =	sor.u32 s29, s16;
	v7 =	vand.u32 $0xFFFF0000, v7;
	[tilespmem:s6+$0x2C80] =	vst v11;
	v14 =	vld.idx.msk [tilespmem:v14+s3+$0x0], $0xffff  }
0x5a: {  	v3 =	vadd.s32 $0xA28, v3;
	v11 =	vshll.u32 v15, $0x10;
	[tilespmem:s19+$0x0] =	vst v7  }
0x5b: {  	s20 =	sor.u32 s30, s16;
	v7 =	vand.u32 $0xFFFF0000, v15;
	[tilespmem:s21+$0x2C80] =	vst v11;
	v11 =	vadd.s32 $0x410, v0;
	s21 =	sadd.s32 $0x4C80, s26;
	v6 =	vld.idx.msk [tilespmem:v6+s3+$0x0], $0xffff  }
0x5c: {  	s22 =	sadd.s32 $0x5C80, s26;
	[tilespmem:s20+$0x0] =	vst v7;
	v7 =	vshll.u32 v13, $0x10;
	s23 =	sor.u32 s28, s21  }
0x5d: {  	s24 =	sor.u32 s28, s22;
	v13 =	vand.u32 $0xFFFF0000, v13;
	[tilespmem:s23+$0x0] =	vst v7;
	v12 =	vld.idx.msk [tilespmem:v12+s3+$0x0], $0xffff  }
0x5e: {  	s31 =	sor.u32 s25, s21;
	[tilespmem:s24+$0x0] =	vst v13;
	v7 =	vshll.u32 v14, $0x10  }
0x5f: {  	s8 =	sor.u32 s25, s22;
	v3 =	vld.idx.msk [tilespmem:v3+s3+$0x0], $0xffff;
	v14 =	vand.u32 $0xFFFF0000, v14;
	[tilespmem:s31+$0x0] =	vst v7  }
0x60: {  	v5 =	vadd.s32 $0x410, v4;
	s9 =	sor.u32 s29, s21;
	v7 =	vld.idx.msk [tilespmem:v11+s3+$0x0], $0xffff;
	[tilespmem:s8+$0x0] =	vst v14;
	v11 =	vshll.u32 v6, $0x10  }
0x61: {  	s12 =	sor.u32 s29, s22;
	v13 =	vadd.s32 $0x410, v8;
	v6 =	vand.u32 $0xFFFF0000, v6;
	[tilespmem:s9+$0x0] =	vst v11  }
0x62: {  	s6 =	sor.u32 s30, s21;
	v14 =	vadd.s32 $0x410, v10;
	[tilespmem:s12+$0x0] =	vst v6;
	v6 =	vshll.u32 v12, $0x10  }
0x63: {  	s1 =	sadd.s32 $0xCC80, s1;
	s13 =	sor.u32 s30, s22;
	v11 =	vand.u32 $0xFFFF0000, v12;
	[tilespmem:s6+$0x0] =	vst v6  }
0x64: {  	s16 =	sor.u32 s10, s1;
	s17 =	sadd.s32 $0x6C80, s26;
	v6 =	vshll.u32 v3, $0x10;
	[tilespmem:s13+$0x0] =	vst v11  }
0x65: {  	s19 =	sor.u32 s28, s17;
	v5 =	vld.idx.msk [tilespmem:v5+s3+$0x0], $0xffff;
	v11 =	vshll.u32 v7, $0x10;
	[tilespmem:s16+$0x0] =	vst v6  }
0x66: {  	v12 =	vld.idx.msk [tilespmem:v13+s3+$0x0], $0xffff;
	[tilespmem:s19+$0x0] =	vst v11  }
0x67: {  	s18 =	sadd.s32 $0x7C80, s26;
	s21 =	sshll.u32 s14, $0x1;
	v14 =	vld.idx.msk [tilespmem:v14+s3+$0x0], $0xffff;
	[dreg:$0x15] =	wrdreg s14  }
0x68: {  	s20 =	sor.u32 s28, s18;
	v7 =	vand.u32 $0xFFFF0000, v7;
	[dreg:$0x19] =	wrdreg s21  }
0x69: {  	s23 =	sor.u32 s15, s1;
	v13 =	vadd.s32 $0x618, v0;
	[tilespmem:s20+$0x0] =	vst v7  }
0x6a: {  	s22 =	sor.u32 s25, s17;
	v11 =	vshll.u32 v5, $0x10;
	[dreg:$0x9] =	wrdreg s23  }
0x6b: {  	v2 =	vadd.s32 $0xA28, v2;
	s0 =	sor.u32 s0, s1;
	[tilespmem:s22+$0x0] =	vst v11  }
0x6c: {  	s24 =	sor.u32 s25, s18;
	s31 =	sadd.s32 $0xCC80, s26;
	v6 =	vadd.s32 $0x618, v4;
	v5 =	vand.u32 $0xFFFF0000, v5;
	[dreg:$0x7] =	wrdreg s0  }
0x6d: {  	v1 =	vadd.s32 $0xA28, v1;
	s7 =	sor.u32 s29, s31;
	[tilespmem:s24+$0x0] =	vst v5  }
0x6e: {  	s5 =	sor.u32 s29, s17;
	v11 =	vld.idx.msk [tilespmem:v13+s3+$0x0], $0xffff;
	v5 =	vshll.u32 v12, $0x10;
	v13 =	vadd.s32 $0x618, v8;
	[dreg:$0x3] =	wrdreg s7  }
0x6f: {  	s14 =	sor.u32 s30, s31;
	[tilespmem:s5+$0x0] =	vst v5  }
0x70: {  	s8 =	sor.u32 s29, s18;
	s18 =	sor.u32 s30, s18;
	v15 =	vld.idx.msk [tilespmem:v2+s3+$0x0], $0xffff;
	v2 =	vand.u32 $0xFFFF0000, v12;
	v12 =	vadd.s32 $0x618, v10;
	[dreg:$0x5] =	wrdreg s14  }
0x71: {  	s9 =	sor.u32 s28, s31;
	s13 =	sor.u32 s25, s31;
	s16 =	sor.u32 s30, s17;
	v16 =	vld.idx.msk [tilespmem:v6+s3+$0x0], $0xffff;
	[tilespmem:s8+$0x0] =	vst v2;
	v2 =	vshll.u32 v14, $0x10  }
0x72: {  	v18 =	vadd.s32 $0x820, v0;
	s17 =	sor.u32 s10, s4;
	s10 =	sor.u32 s15, s4;
	s15 =	simm.s32 $0x80;
	v17 =	vld.idx.msk [tilespmem:v1+s3+$0x0], $0xffff;
	v1 =	vand.u32 $0xFFFF0000, v14;
	v14 =	vand.u32 $0xFFFF0000, v3;
	[tilespmem:s16+$0x0] =	vst v2  }
0x73: {  	s19 =	sor.u32 s11, s1;
	s11 =	sor.u32 s11, s4;
	s21 =	sadd.s32 $0x8C80, s26;
	v7 =	vadd.s32 $0x820, v4;
	v5 =	vadd.s32 $0x820, v10;
	v6 =	vadd.s32 $0x820, v8;
	[tilespmem:s17+$0x0] =	vst v14;
	v13 =	vld.idx.msk [tilespmem:v13+s3+$0x0], $0xffff  }
0x74: {  	s1 =	simm.s32 $0x20;
	s23 =	sadd.s32 $0x9C80, s26;
	s24 =	sor.u32 s28, s21;
	v3 =	vadd.s32 $0xA28, v4;
	v2 =	vadd.s32 $0xA28, v8;
	v8 =	vshll.u32 v11, $0x10;
	[tilespmem:s18+$0x0] =	vst v1  }
0x75: {  	s20 =	simm.s32 $0x4;
	s4 =	sor.u32 s29, s21;
	s31 =	sor.u32 s28, s23;
	v4 =	vshll.u32 v9, $0x10;
	v9 =	vand.u32 $0xFFFF0000, v11;
	v1 =	vadd.s32 $0xA28, v10;
	[tilespmem:s24+$0x0] =	vst v8;
	v14 =	vld.idx.msk [tilespmem:v12+s3+$0x0], $0xffff  }
0x76: {  	s22 =	sor.u32 s25, s21;
	s6 =	sor.u32 s25, s23;
	s0 =	sor.u32 s30, s23;
	v11 =	vshll.u32 v15, $0x10;
	v8 =	vand.u32 $0xFFFF0000, v15;
	[tilespmem:s31+$0x0] =	vst v9;
	v12 =	vshll.u32 v16, $0x10  }
0x77: {  	s21 =	sor.u32 s30, s21;
	s17 =	sor.u32 s29, s23;
	s18 =	simm.s32 $0x400;
	v10 =	vshll.u32 v17, $0x10;
	v9 =	vand.u32 $0xFFFF0000, v17;
	v15 =	vand.u32 $0xFFFF0000, v16;
	[tilespmem:s22+$0x0] =	vst v12;
	v12 =	vld.idx.msk [tilespmem:v18+s3+$0x0], $0xffff  }
.LBB2_3:
0x78: {  	[tilespmem:s6+$0x0] =	vst v15;
	v15 =	vshll.u32 v13, $0x10  }
0x79: {  	s16 =	sand.u32 $0x40, s15;
	s12 =	sand.u32 $0xC00, s18;
	s14 =	sand.u32 $0x380, s1;
	v13 =	vand.u32 $0xFFFF0000, v13;
	[tilespmem:s4+$0x0] =	vst v15  }
0x7a: {  	s14 =	sor.u32 s14, s12;
	s31 =	sor.u32 $0x30, s16;
	[tilespmem:s17+$0x0] =	vst v13;
	v13 =	vshll.u32 v14, $0x10  }
0x7b: {  	s24 =	sor.u32 $0x10, s16;
	v7 =	vld.idx.msk [tilespmem:v7+s3+$0x0], $0xffff;
	s12 =	sor.u32 s31, s14;
	v14 =	vand.u32 $0xFFFF0000, v14;
	[tilespmem:s21+$0x0] =	vst v13  }
0x7c: {  	s22 =	sadd.s32 $0xBC80, s26;
	s6 =	sor.u32 s24, s14;
	v13 =	vadd.s32 $0xA28, v0;
	v0 =	vld [tilespmem:s12+$0xC80];
	[tilespmem:s0+$0x0] =	vst v14  }
0x7d: {  	s5 =	sor.u32 s28, s22;
	s4 =	sor.u32 s16, s14;
	v19 =	vld [tilespmem:s6+$0xC80];
	v14 =	vshll.u32 v12, $0x10;
	[tilespmem:s19+$0x0] =	vst v11;
	v12 =	vand.u32 $0xFFFF0000, v12  }
0x7e: {  	[dreg:$0xd] =	wrdreg s13;
	v15 =	vld [tilespmem:s4+$0xC80];
	s21 =	sadd.s32 $0xAC80, s26;
	[tilespmem:s5+$0x0] =	vst v12  }
0x7f: {  	s23 =	sor.u32 $0x20, s16;
	s13 =	sadd.s32 $0xCC80, s14;
	s8 =	sor.u32 s28, s21;
	v20 =	vld.idx.msk [tilespmem:v6+s3+$0x0], $0xffff;
	[tilespmem:s11+$0x0] =	vst v8  }
0x80: {  	s17 =	sor.u32 s23, s14;
	s2 =	sor.u32 s16, s13;
	s19 =	sor.u32 s25, s21;
	[tilespmem:s8+$0x0] =	vst v14;
	v14 =	vshll.u32 v7, $0x10  }
0x81: {  	s7 =	sor.u32 s25, s22;
	[dreg:$0xb] =	wrdreg s2;
	v11 =	vld [tilespmem:s17+$0xC80];
	v7 =	vand.u32 $0xFFFF0000, v7;
	[tilespmem:s19+$0x0] =	vst v14  }
0x82: {  	v23 =	vld.idx.msk [tilespmem:v5+s3+$0x0], $0xffff;
	s11 =	rddreg [dreg:$0x9];
	[tilespmem:s7+$0x0] =	vst v7  }
0x83: {  	s2 =	sor.u32 s24, s13;
	[tilespmem:s10+$0x0] =	vst v9;
	s10 =	sadd.s32 $0xDC80, s26;
	s7 =	rddreg [dreg:$0x3];
	v25 =	vld.idx.msk [tilespmem:v3+s3+$0x0], $0xffff  }
0x84: {  	s26 =	rddreg [dreg:$0x7];
	s19 =	smov.u32 s7;
	s7 =	smov.u32 s2;
	v21 =	vld.idx.msk [tilespmem:v13+s3+$0x0], $0xffff  }
0x85: {  	[tilespmem:s11+$0x0] =	vst v10;
	v22 =	vadd.s32 $0x208, v15;
	v17 =	vadd.s32 $0x410, v15;
	v13 =	vadd.s32 $0x618, v15;
	[dreg:$0x3] =	wrdreg s7;
	v8 =	vld.idx.msk [tilespmem:v0+s3+$0x0], $0xffff  }
0x86: {  	s5 =	sor.u32 s23, s13;
	s8 =	sor.u32 s29, s21;
	s7 =	rddreg [dreg:$0x5];
	v7 =	vadd.s32 $0x820, v15;
	v3 =	vadd.s32 $0xA28, v15;
	v10 =	vld.idx.msk [tilespmem:v15+s3+$0x0], $0xffff;
	v15 =	vshll.u32 v20, $0x10;
	[tilespmem:s26+$0x0] =	vst v4  }
0x87: {  	s0 =	sor.u32 s29, s22;
	v26 =	vadd.s32 $0x208, v11;
	v16 =	vadd.s32 $0x410, v11;
	s11 =	smov.u32 s7;
	s7 =	smov.u32 s5;
	v9 =	vld.idx.msk [tilespmem:v19+s3+$0x0], $0xffff;
	v20 =	vand.u32 $0xFFFF0000, v20;
	[tilespmem:s8+$0x0] =	vst v15  }
0x88: {  	s21 =	sor.u32 s30, s21;
	v12 =	vadd.s32 $0x618, v11;
	v5 =	vadd.s32 $0x820, v11;
	v29 =	vshll.u32 v23, $0x10;
	[dreg:$0x5] =	wrdreg s7;
	s7 =	smov.u32 s9;
	[tilespmem:s0+$0x0] =	vst v20  }
0x89: {  	v28 =	vadd.s32 $0xA28, v11;
	s9 =	sor.u32 s28, s10;
	s28 =	smov.u32 s31;
	s26 =	smov.u32 s14;
	v27 =	vld.idx.msk [tilespmem:v11+s3+$0x0], $0xffff;
	v11 =	vadd.s32 $0x208, v0;
	[tilespmem:s21+$0x0] =	vst v29;
	v4 =	vand.u32 $0xFFFF0000, v21  }
0x8a: {  	s14 =	sor.u32 s25, s10;
	s25 =	smov.u32 s16;
	s16 =	sadd.s32 $0x3C80, s26;
	[tilespmem:s9+$0x0] =	vst v4;
	v48 =	vshll.u32 v8, $0x10  }
0x8b: {  	s13 =	sor.u32 s31, s13;
	s31 =	sor.u32 s28, s16;
	v8 =	vand.u32 $0xFFFF0000, v8;
	[tilespmem:s12+$0x2C80] =	vst v48  }
0x8c: {  	s22 =	sor.u32 s30, s22;
	[dreg:$0x9] =	wrdreg s11;
	s11 =	sor.u32 s29, s10;
	v50 =	vshll.u32 v10, $0x10;
	[tilespmem:s31+$0x0] =	vst v8  }
0x8d: {  	v24 =	vadd.s32 $0x208, v19;
	s10 =	sor.u32 s30, s10;
	s30 =	smov.u32 s23;
	s23 =	sor.u32 s25, s16;
	v10 =	vand.u32 $0xFFFF0000, v10;
	[tilespmem:s4+$0x2C80] =	vst v50  }
0x8e: {  	s29 =	smov.u32 s24;
	v51 =	vshll.u32 v9, $0x10;
	[tilespmem:s23+$0x0] =	vst v10;
	v54 =	vld.idx.msk [tilespmem:v11+s3+$0x0], $0xffff  }
0x8f: {  	v49 =	vld.idx.msk [tilespmem:v2+s3+$0x0], $0xffff;
	s24 =	sor.u32 s29, s16;
	v9 =	vand.u32 $0xFFFF0000, v9;
	[tilespmem:s6+$0x2C80] =	vst v51  }
0x90: {  	v52 =	vshll.u32 v27, $0x10;
	[tilespmem:s24+$0x0] =	vst v9;
	v10 =	vld.idx.msk [tilespmem:v22+s3+$0x0], $0xffff  }
0x91: {  	s0 =	sor.u32 s30, s16;
	v53 =	vand.u32 $0xFFFF0000, v27;
	[tilespmem:s17+$0x2C80] =	vst v52  }
0x92: {  	v55 =	vadd.s32 $0x410, v0;
	v23 =	vand.u32 $0xFFFF0000, v23;
	s6 =	sadd.s32 $0x4C80, s26;
	v9 =	vld.idx.msk [tilespmem:v24+s3+$0x0], $0xffff;
	[tilespmem:s0+$0x0] =	vst v53  }
0x93: {  	s8 =	sadd.s32 $0x5C80, s26;
	s12 =	sor.u32 s28, s6;
	v56 =	vld.idx.msk [tilespmem:v26+s3+$0x0], $0xffff;
	[tilespmem:s22+$0x0] =	vst v23;
	v57 =	vshll.u32 v54, $0x10  }
0x94: {  	s17 =	sor.u32 s28, s8;
	v58 =	vand.u32 $0xFFFF0000, v54;
	[tilespmem:s12+$0x0] =	vst v57  }
0x95: {  	v18 =	vadd.s32 $0x410, v19;
	v14 =	vadd.s32 $0x618, v19;
	[dreg:$0x7] =	wrdreg s7;
	s7 =	sor.u32 s25, s6;
	v60 =	vshll.u32 v10, $0x10;
	[tilespmem:s17+$0x0] =	vst v58  }
0x96: {  	v6 =	vadd.s32 $0x820, v19;
	v19 =	vadd.s32 $0xA28, v19;
	s9 =	smov.u32 s13;
	s13 =	sor.u32 s25, s8;
	v10 =	vand.u32 $0xFFFF0000, v10;
	[tilespmem:s7+$0x0] =	vst v60  }
0x97: {  	v2 =	vmov v19;
	s16 =	sor.u32 s29, s6;
	[tilespmem:s13+$0x0] =	vst v10;
	v10 =	vshll.u32 v9, $0x10;
	v19 =	vld.idx.msk [tilespmem:v55+s3+$0x0], $0xffff  }
0x98: {  	s21 =	sor.u32 s29, s8;
	v9 =	vand.u32 $0xFFFF0000, v9;
	[tilespmem:s16+$0x0] =	vst v10  }
0x99: {  	s4 =	sor.u32 s30, s8;
	v20 =	vand.u32 $0xFFFF0000, v56;
	v17 =	vld.idx.msk [tilespmem:v17+s3+$0x0], $0xffff;
	[tilespmem:s21+$0x0] =	vst v9  }
0x9a: {  	v30 =	vshll.u32 v25, $0x10;
	v59 =	vld.idx.msk [tilespmem:v1+s3+$0x0], $0xffff;
	s7 =	rddreg [dreg:$0xd];
	[tilespmem:s4+$0x0] =	vst v20  }
0x9b: {  	v61 =	vadd.s32 $0x618, v0;
	s2 =	sor.u32 s30, s6;
	s22 =	sadd.s32 $0x6C80, s26;
	v9 =	vshll.u32 v56, $0x10;
	[tilespmem:s7+$0x0] =	vst v30;
	v18 =	vld.idx.msk [tilespmem:v18+s3+$0x0], $0xffff  }
0x9c: {  	s24 =	sadd.s32 $0x7C80, s26;
	s31 =	sor.u32 s28, s22;
	[tilespmem:s2+$0x0] =	vst v9;
	v62 =	vshll.u32 v19, $0x10  }
0x9d: {  	s13 =	sor.u32 s28, s24;
	v16 =	vld.idx.msk [tilespmem:v16+s3+$0x0], $0xffff;
	v19 =	vand.u32 $0xFFFF0000, v19;
	[tilespmem:s31+$0x0] =	vst v62  }
0x9e: {  	s23 =	sor.u32 s25, s22;
	v63 =	vshll.u32 v17, $0x10;
	[tilespmem:s13+$0x0] =	vst v19  }
0x9f: {  	s8 =	sor.u32 s25, s24;
	v17 =	vand.u32 $0xFFFF0000, v17;
	[tilespmem:s23+$0x0] =	vst v63  }
0xa0: {  	s12 =	sor.u32 s29, s22;
	[tilespmem:s8+$0x0] =	vst v17;
	v17 =	vshll.u32 v18, $0x10;
	v19 =	vld.idx.msk [tilespmem:v61+s3+$0x0], $0xffff  }
0xa1: {  	s16 =	sor.u32 s29, s24;
	v18 =	vand.u32 $0xFFFF0000, v18;
	[tilespmem:s12+$0x0] =	vst v17  }
0xa2: {  	s20 =	sadd.s32 $0x4, s20;
	s0 =	sor.u32 s30, s22;
	v20 =	vld.idx.msk [tilespmem:v13+s3+$0x0], $0xffff;
	[tilespmem:s16+$0x0] =	vst v18;
	v17 =	vshll.u32 v16, $0x10  }
0xa3: {  	s15 =	sadd.s32 $0x40, s15;
	p1 =	slt.u32 s20, $0xFC;
	s4 =	sor.u32 s30, s24;
	v16 =	vand.u32 $0xFFFF0000, v16;
	[tilespmem:s0+$0x0] =	vst v17;
	v17 =	vadd.s32 $0x820, v0  }
.Ltmp0:
0xa4: {  	s18 =	sadd.s32 $0x200, s18;
	v15 =	vand.u32 $0xFFFF0000, v25;
	s21 =	sadd.s32 $0x8C80, s26;
	v13 =	vld.idx.msk [tilespmem:v14+s3+$0x0], $0xffff;
	[tilespmem:s4+$0x0] =	vst v16;
	(pc) =	sbr.rel @p1 .LBB2_3-.Ltmp0, $4  }
0xa5: {  	s1 =	sadd.s32 $0x10, s1;
	s24 =	sor.u32 s28, s21;
	s23 =	sadd.s32 $0x9C80, s26;
	[tilespmem:s14+$0x0] =	vst v15;
	v14 =	vld.idx.msk [tilespmem:v12+s3+$0x0], $0xffff;
	v12 =	vshll.u32 v19, $0x10  }
0xa6: {  	v4 =	vshll.u32 v21, $0x10;
	s17 =	rddreg [dreg:$0xb];
	s22 =	sor.u32 s25, s21;
	s31 =	sor.u32 s28, s23;
	v16 =	vand.u32 $0xFFFF0000, v19;
	[tilespmem:s24+$0x0] =	vst v12  }
0xa7: {  	v11 =	vshll.u32 v49, $0x10;
	v8 =	vand.u32 $0xFFFF0000, v49;
	s13 =	smov.u32 s17;
	s6 =	sor.u32 s25, s23;
	s17 =	sor.u32 s29, s23;
	v12 =	vshll.u32 v20, $0x10;
	[tilespmem:s31+$0x0] =	vst v16  }
0xa8: {  	v1 =	vmovc v28;
	v10 =	vshll.u32 v59, $0x10;
	v9 =	vand.u32 $0xFFFF0000, v59;
	s4 =	sor.u32 s29, s21;
	s21 =	sor.u32 s30, s21;
	s0 =	sor.u32 s30, s23;
	v15 =	vand.u32 $0xFFFF0000, v20;
	[tilespmem:s22+$0x0] =	vst v12;
	v12 =	vld.idx.msk [tilespmem:v17+s3+$0x0], $0xffff  }
0xa9: {  	_ = 	snop  }
0xaa: {  	[tilespmem:s6+$0x0] =	vst v15  }
0xab: {  	v51 =	vshll.u32 v13, $0x10;
	[tilespmem:s19+$0x0] =	vst v11  }
0xac: {  	[tilespmem:s4+$0x0] =	vst v51  }
0xad: {  	v52 =	vand.u32 $0xFFFF0000, v13;
	v7 =	vld.idx.msk [tilespmem:v7+s3+$0x0], $0xffff;
	[tilespmem:s11+$0x0] =	vst v8  }
0xae: {  	v53 =	vshll.u32 v14, $0x10;
	[tilespmem:s17+$0x0] =	vst v52  }
0xaf: {  	s1 =	sadd.s32 $0xAC80, s26;
	v54 =	vand.u32 $0xFFFF0000, v14;
	[tilespmem:s21+$0x0] =	vst v53;
	v6 =	vld.idx.msk [tilespmem:v6+s3+$0x0], $0xffff  }
0xb0: {  	s15 =	sadd.s32 $0xBC80, s26;
	s2 =	sor.u32 s28, s1;
	[tilespmem:s0+$0x0] =	vst v54;
	v55 =	vshll.u32 v12, $0x10  }
0xb1: {  	s16 =	sor.u32 s28, s15;
	v56 =	vand.u32 $0xFFFF0000, v12;
	[tilespmem:s2+$0x0] =	vst v55  }
0xb2: {  	v0 =	vadd.s32 $0xA28, v0;
	s17 =	sor.u32 s25, s1;
	v5 =	vld.idx.msk [tilespmem:v5+s3+$0x0], $0xffff;
	[tilespmem:s16+$0x0] =	vst v56;
	v57 =	vshll.u32 v7, $0x10  }
0xb3: {  	s18 =	sor.u32 s25, s15;
	v7 =	vand.u32 $0xFFFF0000, v7;
	[tilespmem:s17+$0x0] =	vst v57  }
0xb4: {  	s19 =	sor.u32 s29, s1;
	[tilespmem:s18+$0x0] =	vst v7;
	v58 =	vshll.u32 v6, $0x10  }
0xb5: {  	s2 =	rddreg [dreg:$0x9];
	[tilespmem:s19+$0x0] =	vst v58  }
0xb6: {  	s20 =	sor.u32 s29, s15;
	v6 =	vand.u32 $0xFFFF0000, v6;
	[tilespmem:s2+$0x0] =	vst v10  }
0xb7: {  	s1 =	sor.u32 s30, s1;
	v0 =	vld.idx.msk [tilespmem:v0+s3+$0x0], $0xffff;
	v59 =	vshll.u32 v5, $0x10;
	[tilespmem:s20+$0x0] =	vst v6  }
0xb8: {  	v3 =	vld.idx.msk [tilespmem:v3+s3+$0x0], $0xffff;
	[tilespmem:s1+$0x0] =	vst v59  }
0xb9: {  	s0 =	sor.u32 s30, s15;
	v5 =	vand.u32 $0xFFFF0000, v5;
	[tilespmem:s10+$0x0] =	vst v9  }
0xba: {  	[tilespmem:s0+$0x0] =	vst v5  }
0xbb: {  	s21 =	sadd.s32 $0xDC80, s26;
	v2 =	vld.idx.msk [tilespmem:v2+s3+$0x0], $0xffff;
	s1 =	rddreg [dreg:$0x7]  }
0xbc: {  	s22 =	sor.u32 s28, s21;
	v60 =	vand.u32 $0xFFFF0000, v0;
	[tilespmem:s1+$0x0] =	vst v4  }
0xbd: {  	[tilespmem:s22+$0x0] =	vst v60;
	v61 =	vshll.u32 v3, $0x10  }
0xbe: {  	s23 =	sor.u32 s25, s21;
	v1 =	vld.idx.msk [tilespmem:v1+s3+$0x0], $0xffff;
	v3 =	vand.u32 $0xFFFF0000, v3;
	[tilespmem:s13+$0x0] =	vst v61  }
0xbf: {  	[tilespmem:s23+$0x0] =	vst v3  }
0xc0: {  	v62 =	vshll.u32 v2, $0x10;
	s1 =	rddreg [dreg:$0x3]  }
0xc1: {  	s24 =	sor.u32 s29, s21;
	v2 =	vand.u32 $0xFFFF0000, v2;
	[tilespmem:s1+$0x0] =	vst v62  }
0xc2: {  	[tilespmem:s24+$0x0] =	vst v2  }
0xc3: {  	v63 =	vshll.u32 v1, $0x10;
	s1 =	rddreg [dreg:$0x5]  }
0xc4: {  	s0 =	sor.u32 s30, s21;
	v1 =	vand.u32 $0xFFFF0000, v1;
	[tilespmem:s1+$0x0] =	vst v63  }
0xc5: {  	v0 =	vshll.u32 v0, $0x10;
	[tilespmem:s0+$0x0] =	vst v1  }
0xc6: {  	s1 =	rddreg [dreg:$0x18];
	[tilespmem:s9+$0x0] =	vst v0  }
0xc7: {  	s31 =	rddreg [dreg:$0x15]  }
0xc8: {  	p1 =	sne.s32 s31, $0xF  }
.Ltmp1:
0xc9: {  	_ = 	snop;
	(pc) =	sbr.rel @p1 .LBB2_6-.Ltmp1, $4  }
0xca: {  	s25 =	rddreg [dreg:$0x1]  }
0xcb: {  	s28 =	simm.s32 $0x1000;
	s0 =	sadd.s32 s25, s1;
	s26 =	rddreg [dreg:$0x17]  }
0xcc: {  	s29 =	simm.s32 $0x400000;
	s30 =	simm.s32 $0x2C80;
	s0 =	sadd.s32 s26, s0  }
0xcd: {  	[hbm4b:s0+s28] =	stream.strided.scatter [tilespmem:s30], [sflag:$0x3], $0xC000, s29, s28, $0x38;
	[tilespmem:$0x1AC80] =	vst v63  }
.Ltmp2:
0xce: {  	(pc) =	sbr.rel .LBB2_7-.Ltmp2, $4  }
0xcf: {  	s0 =	simm.s32 $0x2  }
0xd0: {  	_ =	swait.ge [sflag:s0], $0x1000  }
0xd1: {  	[sflag:s0] =	ssyncset.done $0x0  }
0xd2: {  	[sflag:s0] =	ssyncadd.s32 $0xFFFFF000  }
.LBB2_6:
0xd3: {  	s0 =	rddreg [dreg:$0x19]  }
0xd4: {  	s0 =	sadd.s32 $0x2, s0  }
0xd5: {  	s2 =	rddreg [dreg:$0x11];
	s1 =	sshrl.u32 s0, $0x2;
	s0 =	sshll.u32 s0, $0x9  }
0xd6: {  	s29 =	rddreg [dreg:$0xf];
	s1 =	sadd.s32 s2, s1;
	s0 =	sand.u32 $0x400, s0  }
0xd7: {  	s30 =	simm.s32 $0xC80;
	s1 =	sshll.u32 s1, $0xB;
	s0 =	sadd.s32 s29, s0  }
.Ltmp3:
0xd8: {  	s31 =	simm.s32 $0x2;
	s0 =	sadd.s32 s1, s0;
	(pc) =	sbr.rel @p0 .LBB2_8-.Ltmp3, $4  }
0xd9: {  	[tilespmem:s30], [sflag:$0x1] =	stream.linear.gather [hbm4b:s0+s3], $0x1000, $0x38;
	[tilespmem:$0x1AC80] =	vst v63  }
0xda: {  	_ =	swait.ge [sflag:s31], $0x1000  }
0xdb: {  	[sflag:s31] =	ssyncset.done $0x0  }
0xdc: {  	[sflag:s31] =	ssyncadd.s32 $0xFFFFF000  }
.LBB2_7:
0xdd: {  	s0 =	simm.s32 $0x4  }
0xde: {  	_ =	swait.ge [sflag:s0], $0xC000  }
0xdf: {  	[sflag:s0] =	ssyncset.done $0x0  }
0xe0: {  	[sflag:s0] =	ssyncadd.s32 $0xFFFF4000  }
.LBB2_8:
0xe1: {  	s0 =	simm.s32 $0x0  }
0xe2: {  	s10 =	sand.u32 $0x40, s0;
	s1 =	sand.u32 $0xC00, s0;
	s0 =	sand.u32 $0x380, s0  }
0xe3: {  	s1 =	sor.u32 s0, s1;
	s0 =	sor.u32 $0x30, s10  }
0xe4: {  	s2 =	sor.u32 s0, s1  }
0xe5: {  	v4 =	vld [tilespmem:s2+$0x1C80];
	_ =	sdelay $0x2  }
0xe6: {  	s4 =	sor.u32 s10, s1  }
0xe7: {  	s11 =	sor.u32 $0x10, s10;
	v3 =	vld [tilespmem:s4+$0x1C80]  }
0xe8: {  	s5 =	sor.u32 s11, s1  }
0xe9: {  	v2 =	vld [tilespmem:s5+$0x1C80];
	_ =	sdelay $0x1  }
0xea: {  	s15 =	sor.u32 $0x20, s10;
	v0 =	vld.idx.msk [tilespmem:v4+s3+$0x0], $0xffff  }
0xeb: {  	s6 =	sor.u32 s15, s1  }
0xec: {  	v1 =	vld [tilespmem:s6+$0x1C80]  }
0xed: {  	v5 =	vadd.s32 $0x208, v4  }
0xee: {  	v6 =	vld.idx.msk [tilespmem:v3+s3+$0x0], $0xffff  }
0xef: {  	s7 =	sadd.s32 $0xFC80, s1;
	v7 =	vshll.u32 v0, $0x10  }
0xf0: {  	s30 =	sor.u32 s0, s7;
	v8 =	vld.idx.msk [tilespmem:v2+s3+$0x0], $0xffff;
	v0 =	vand.u32 $0xFFFF0000, v0;
	[tilespmem:s2+$0xEC80] =	vst v7  }
0xf1: {  	v7 =	vadd.s32 $0x208, v3;
	[tilespmem:s30+$0x0] =	vst v0  }
0xf2: {  	v0 =	vld.idx.msk [tilespmem:v5+s3+$0x0], $0xffff  }
0xf3: {  	v9 =	vshll.u32 v6, $0x10;
	v5 =	vadd.s32 $0x208, v2  }
0xf4: {  	s31 =	sor.u32 s10, s7;
	v10 =	vld.idx.msk [tilespmem:v1+s3+$0x0], $0xffff;
	v6 =	vand.u32 $0xFFFF0000, v6;
	[tilespmem:s4+$0xEC80] =	vst v9  }
0xf5: {  	v9 =	vshll.u32 v8, $0x10;
	[tilespmem:s31+$0x0] =	vst v6;
	v6 =	vadd.s32 $0x410, v4  }
0xf6: {  	s8 =	sadd.s32 $0x10C80, s1;
	s4 =	sor.u32 s11, s7;
	v8 =	vand.u32 $0xFFFF0000, v8;
	[tilespmem:s5+$0xEC80] =	vst v9;
	v7 =	vld.idx.msk [tilespmem:v7+s3+$0x0], $0xffff  }
0xf7: {  	s9 =	sadd.s32 $0x11C80, s1;
	s12 =	sor.u32 s0, s8;
	v9 =	vadd.s32 $0x208, v1;
	[tilespmem:s4+$0x0] =	vst v8;
	v8 =	vshll.u32 v0, $0x10  }
0xf8: {  	s13 =	sor.u32 s0, s9;
	v5 =	vld.idx.msk [tilespmem:v5+s3+$0x0], $0xffff;
	v0 =	vand.u32 $0xFFFF0000, v0;
	[tilespmem:s12+$0x0] =	vst v8  }
0xf9: {  	v11 =	vshll.u32 v10, $0x10;
	v8 =	vadd.s32 $0x410, v3;
	[tilespmem:s13+$0x0] =	vst v0  }
0xfa: {  	s14 =	sor.u32 s15, s7;
	[tilespmem:s6+$0xEC80] =	vst v11;
	v0 =	vand.u32 $0xFFFF0000, v10;
	v6 =	vld.idx.msk [tilespmem:v6+s3+$0x0], $0xffff  }
0xfb: {  	s16 =	sor.u32 s10, s8;
	v10 =	vadd.s32 $0x410, v2;
	[tilespmem:s14+$0x0] =	vst v0;
	v0 =	vshll.u32 v7, $0x10  }
0xfc: {  	s17 =	sor.u32 s10, s9;
	v7 =	vand.u32 $0xFFFF0000, v7;
	v9 =	vld.idx.msk [tilespmem:v9+s3+$0x0], $0xffff;
	[tilespmem:s16+$0x0] =	vst v0  }
0xfd: {  	s18 =	sor.u32 s11, s8;
	[tilespmem:s17+$0x0] =	vst v7;
	v0 =	vshll.u32 v5, $0x10;
	v7 =	vadd.s32 $0x618, v4  }
0xfe: {  	s20 =	sadd.s32 $0x12C80, s1;
	s19 =	sor.u32 s11, s9;
	v5 =	vand.u32 $0xFFFF0000, v5;
	v8 =	vld.idx.msk [tilespmem:v8+s3+$0x0], $0xffff;
	[tilespmem:s18+$0x0] =	vst v0  }
0xff: {  	s21 =	sadd.s32 $0x13C80, s1;
	s22 =	sor.u32 s0, s20;
	v0 =	vadd.s32 $0x410, v1;
	[tilespmem:s19+$0x0] =	vst v5;
	v5 =	vshll.u32 v6, $0x10  }
0x100: {  	s23 =	sor.u32 s0, s21;
	v10 =	vld.idx.msk [tilespmem:v10+s3+$0x0], $0xffff;
	v6 =	vand.u32 $0xFFFF0000, v6;
	[tilespmem:s22+$0x0] =	vst v5  }
0x101: {  	s4 =	sor.u32 s15, s8;
	v5 =	vadd.s32 $0x618, v3;
	v11 =	vshll.u32 v9, $0x10;
	[tilespmem:s23+$0x0] =	vst v6  }
0x102: {  	s2 =	sor.u32 s15, s9;
	v6 =	vand.u32 $0xFFFF0000, v9;
	[tilespmem:s4+$0x0] =	vst v11;
	v7 =	vld.idx.msk [tilespmem:v7+s3+$0x0], $0xffff  }
0x103: {  	s24 =	sor.u32 s10, s20;
	v9 =	vadd.s32 $0x618, v2;
	[tilespmem:s2+$0x0] =	vst v6;
	v6 =	vshll.u32 v8, $0x10  }
0x104: {  	s25 =	sor.u32 s10, s21;
	v8 =	vand.u32 $0xFFFF0000, v8;
	v0 =	vld.idx.msk [tilespmem:v0+s3+$0x0], $0xffff;
	[tilespmem:s24+$0x0] =	vst v6  }
0x105: {  	s26 =	sor.u32 s11, s20;
	[tilespmem:s25+$0x0] =	vst v8;
	v6 =	vshll.u32 v10, $0x10;
	v8 =	vadd.s32 $0x820, v4  }
0x106: {  	s29 =	sor.u32 s11, s21;
	s30 =	sadd.s32 $0x14C80, s1;
	v10 =	vand.u32 $0xFFFF0000, v10;
	v5 =	vld.idx.msk [tilespmem:v5+s3+$0x0], $0xffff;
	[tilespmem:s26+$0x0] =	vst v6  }
0x107: {  	s31 =	sadd.s32 $0x15C80, s1;
	s9 =	sor.u32 s0, s30;
	v6 =	vadd.s32 $0x618, v1;
	[tilespmem:s29+$0x0] =	vst v10;
	v10 =	vshll.u32 v7, $0x10  }
0x108: {  	s6 =	sor.u32 s15, s21;
	s5 =	sor.u32 s15, s20;
	s12 =	sor.u32 s0, s31;
	v9 =	vld.idx.msk [tilespmem:v9+s3+$0x0], $0xffff;
	v7 =	vand.u32 $0xFFFF0000, v7;
	[tilespmem:s9+$0x0] =	vst v10  }
0x109: {  	s8 =	simm.s32 $0x200;
	s13 =	simm.s32 $0x40;
	v11 =	vshll.u32 v0, $0x10;
	s9 =	simm.s32 $0x10;
	[tilespmem:s12+$0x0] =	vst v7  }
0x10a: {  	s14 =	sand.u32 $0xC00, s8;
	s23 =	sand.u32 $0x40, s13;
	v10 =	vadd.s32 $0x820, v3;
	v0 =	vand.u32 $0xFFFF0000, v0;
	[tilespmem:s5+$0x0] =	vst v11;
	s16 =	sand.u32 $0x380, s9;
	v7 =	vld.idx.msk [tilespmem:v8+s3+$0x0], $0xffff  }
0x10b: {  	s17 =	sor.u32 s10, s30;
	s25 =	sor.u32 $0x30, s23;
	[tilespmem:s6+$0x0] =	vst v0;
	v0 =	vshll.u32 v5, $0x10;
	s24 =	sor.u32 s16, s14  }
0x10c: {  	s18 =	sor.u32 s10, s31;
	s26 =	sor.u32 $0x10, s23;
	v11 =	vadd.s32 $0x820, v2;
	v5 =	vand.u32 $0xFFFF0000, v5;
	v6 =	vld.idx.msk [tilespmem:v6+s3+$0x0], $0xffff;
	[tilespmem:s17+$0x0] =	vst v0;
	s5 =	sor.u32 s25, s24  }
0x10d: {  	s19 =	sor.u32 s11, s30;
	s6 =	sor.u32 s26, s24;
	[tilespmem:s18+$0x0] =	vst v5;
	v5 =	vshll.u32 v9, $0x10;
	v0 =	vld [tilespmem:s5+$0x1C80]  }
0x10e: {  	v12 =	vadd.s32 $0xA28, v4;
	s20 =	sor.u32 s11, s31;
	s12 =	sadd.s32 $0x16C80, s1;
	v4 =	vand.u32 $0xFFFF0000, v9;
	v8 =	vld [tilespmem:s6+$0x1C80];
	[tilespmem:s19+$0x0] =	vst v5  }
0x10f: {  	s2 =	sadd.s32 $0x17C80, s1;
	s21 =	sor.u32 s0, s12;
	s9 =	sor.u32 s23, s24;
	v13 =	vld.idx.msk [tilespmem:v10+s3+$0x0], $0xffff;
	v5 =	vadd.s32 $0x820, v1;
	[tilespmem:s20+$0x0] =	vst v4;
	v9 =	vshll.u32 v7, $0x10  }
0x110: {  	s28 =	sor.u32 $0x20, s23;
	s22 =	sor.u32 s0, s2;
	v4 =	vld [tilespmem:s9+$0x1C80];
	v7 =	vand.u32 $0xFFFF0000, v7;
	[tilespmem:s21+$0x0] =	vst v9  }
0x111: {  	s7 =	sor.u32 s15, s30;
	s29 =	sor.u32 s28, s24;
	v11 =	vld.idx.msk [tilespmem:v11+s3+$0x0], $0xffff;
	v9 =	vshll.u32 v6, $0x10;
	[tilespmem:s22+$0x0] =	vst v7  }
0x112: {  	s4 =	sor.u32 s15, s31;
	v10 =	vld [tilespmem:s29+$0x1C80];
	v6 =	vand.u32 $0xFFFF0000, v6;
	[tilespmem:s7+$0x0] =	vst v9  }
0x113: {  	v9 =	vld.idx.msk [tilespmem:v12+s3+$0x0], $0xffff;
	[tilespmem:s4+$0x0] =	vst v6  }
0x114: {  	s30 =	sor.u32 s10, s12;
	v6 =	vshll.u32 v13, $0x10;
	v5 =	vld.idx.msk [tilespmem:v5+s3+$0x0], $0xffff  }
0x115: {  	s31 =	sor.u32 s10, s2;
	v7 =	vand.u32 $0xFFFF0000, v13;
	[tilespmem:s30+$0x0] =	vst v6;
	v6 =	vld.idx.msk [tilespmem:v0+s3+$0x0], $0xffff  }
0x116: {  	s13 =	sor.u32 s11, s12;
	[tilespmem:s31+$0x0] =	vst v7;
	v7 =	vshll.u32 v11, $0x10  }
0x117: {  	s16 =	sor.u32 s11, s2;
	s4 =	sadd.s32 $0x19C80, s1;
	v11 =	vand.u32 $0xFFFF0000, v11;
	[tilespmem:s13+$0x0] =	vst v7  }
0x118: {  	s14 =	sor.u32 s0, s4;
	v12 =	vld.idx.msk [tilespmem:v4+s3+$0x0], $0xffff;
	[tilespmem:s16+$0x0] =	vst v11;
	v7 =	vand.u32 $0xFFFF0000, v9  }
0x119: {  	s17 =	sor.u32 s15, s12;
	v13 =	vadd.s32 $0x208, v0;
	[tilespmem:s14+$0x0] =	vst v7;
	v14 =	vshll.u32 v5, $0x10  }
0x11a: {  	v7 =	vld.idx.msk [tilespmem:v8+s3+$0x0], $0xffff;
	v11 =	vshll.u32 v6, $0x10;
	[tilespmem:s17+$0x0] =	vst v14  }
0x11b: {  	s2 =	sor.u32 s15, s2;
	s18 =	sadd.s32 $0xFC80, s24;
	v5 =	vand.u32 $0xFFFF0000, v5;
	v14 =	vadd.s32 $0x208, v4;
	[tilespmem:s5+$0xEC80] =	vst v11  }
0x11c: {  	s19 =	sor.u32 s25, s18;
	v15 =	vld.idx.msk [tilespmem:v10+s3+$0x0], $0xffff;
	v6 =	vand.u32 $0xFFFF0000, v6;
	[tilespmem:s2+$0x0] =	vst v5  }
0x11d: {  	v11 =	vshll.u32 v12, $0x10;
	[tilespmem:s19+$0x0] =	vst v6;
	v6 =	vadd.s32 $0x208, v8  }
0x11e: {  	s20 =	sor.u32 s23, s18;
	v12 =	vand.u32 $0xFFFF0000, v12;
	[tilespmem:s9+$0xEC80] =	vst v11;
	v13 =	vld.idx.msk [tilespmem:v13+s3+$0x0], $0xffff  }
0x11f: {  	v11 =	vshll.u32 v7, $0x10;
	[tilespmem:s20+$0x0] =	vst v12;
	v12 =	vadd.s32 $0x208, v10  }
0x120: {  	s21 =	sor.u32 s26, s18;
	v7 =	vand.u32 $0xFFFF0000, v7;
	[tilespmem:s6+$0xEC80] =	vst v11;
	v14 =	vld.idx.msk [tilespmem:v14+s3+$0x0], $0xffff  }
0x121: {  	v3 =	vadd.s32 $0xA28, v3;
	v11 =	vshll.u32 v15, $0x10;
	[tilespmem:s21+$0x0] =	vst v7  }
0x122: {  	s22 =	sor.u32 s28, s18;
	v7 =	vand.u32 $0xFFFF0000, v15;
	[tilespmem:s29+$0xEC80] =	vst v11;
	v11 =	vadd.s32 $0x410, v0;
	s29 =	sadd.s32 $0x10C80, s24;
	v6 =	vld.idx.msk [tilespmem:v6+s3+$0x0], $0xffff  }
0x123: {  	s30 =	sadd.s32 $0x11C80, s24;
	[tilespmem:s22+$0x0] =	vst v7;
	s31 =	sor.u32 s25, s29;
	v7 =	vshll.u32 v13, $0x10  }
0x124: {  	s8 =	sor.u32 s25, s30;
	v13 =	vand.u32 $0xFFFF0000, v13;
	v12 =	vld.idx.msk [tilespmem:v12+s3+$0x0], $0xffff;
	[tilespmem:s31+$0x0] =	vst v7  }
0x125: {  	v5 =	vadd.s32 $0x410, v4;
	s9 =	sor.u32 s23, s29;
	v7 =	vshll.u32 v14, $0x10;
	[tilespmem:s8+$0x0] =	vst v13  }
0x126: {  	s12 =	sor.u32 s23, s30;
	v3 =	vld.idx.msk [tilespmem:v3+s3+$0x0], $0xffff;
	v14 =	vand.u32 $0xFFFF0000, v14;
	[tilespmem:s9+$0x0] =	vst v7  }
0x127: {  	s13 =	sor.u32 s26, s29;
	v7 =	vld.idx.msk [tilespmem:v11+s3+$0x0], $0xffff;
	[tilespmem:s12+$0x0] =	vst v14;
	v11 =	vshll.u32 v6, $0x10  }
0x128: {  	s14 =	sor.u32 s26, s30;
	v6 =	vand.u32 $0xFFFF0000, v6;
	[tilespmem:s13+$0x0] =	vst v11  }
0x129: {  	s6 =	sor.u32 s28, s29;
	v13 =	vadd.s32 $0x410, v8;
	[tilespmem:s14+$0x0] =	vst v6;
	v6 =	vshll.u32 v12, $0x10  }
0x12a: {  	s1 =	sadd.s32 $0x18C80, s1;
	s16 =	sor.u32 s28, s30;
	v14 =	vadd.s32 $0x410, v10;
	v5 =	vld.idx.msk [tilespmem:v5+s3+$0x0], $0xffff;
	v11 =	vand.u32 $0xFFFF0000, v12;
	[tilespmem:s6+$0x0] =	vst v6  }
0x12b: {  	s18 =	sadd.s32 $0x12C80, s24;
	s17 =	sor.u32 s10, s1;
	v6 =	vshll.u32 v3, $0x10;
	[tilespmem:s16+$0x0] =	vst v11  }
0x12c: {  	s21 =	sor.u32 s25, s18;
	s12 =	sadd.s32 $0x13C80, s24;
	v11 =	vshll.u32 v7, $0x10;
	[tilespmem:s17+$0x0] =	vst v6  }
0x12d: {  	s22 =	sor.u32 s25, s12;
	v7 =	vand.u32 $0xFFFF0000, v7;
	[tilespmem:s21+$0x0] =	vst v11  }
0x12e: {  	s30 =	sor.u32 s15, s1;
	v12 =	vld.idx.msk [tilespmem:v13+s3+$0x0], $0xffff;
	v13 =	vadd.s32 $0x618, v0;
	[tilespmem:s22+$0x0] =	vst v7  }
0x12f: {  	s29 =	sor.u32 s23, s18;
	v14 =	vld.idx.msk [tilespmem:v14+s3+$0x0], $0xffff;
	v11 =	vshll.u32 v5, $0x10;
	[dreg:$0xa] =	wrdreg s30  }
0x130: {  	v2 =	vadd.s32 $0xA28, v2;
	s0 =	sor.u32 s0, s1;
	[tilespmem:s29+$0x0] =	vst v11  }
0x131: {  	s7 =	sadd.s32 $0x18C80, s24;
	s31 =	sor.u32 s23, s12;
	v6 =	vadd.s32 $0x618, v4;
	v5 =	vand.u32 $0xFFFF0000, v5;
	[dreg:$0x8] =	wrdreg s0  }
0x132: {  	v1 =	vadd.s32 $0xA28, v1;
	s9 =	sor.u32 s26, s7;
	[tilespmem:s31+$0x0] =	vst v5  }
0x133: {  	s8 =	sor.u32 s26, s18;
	v11 =	vld.idx.msk [tilespmem:v13+s3+$0x0], $0xffff;
	v5 =	vshll.u32 v12, $0x10;
	v13 =	vadd.s32 $0x618, v8;
	[dreg:$0x4] =	wrdreg s9  }
0x134: {  	s16 =	sor.u32 s28, s7;
	[tilespmem:s8+$0x0] =	vst v5  }
0x135: {  	s19 =	sor.u32 s11, s1;
	s14 =	sor.u32 s26, s12;
	v15 =	vld.idx.msk [tilespmem:v2+s3+$0x0], $0xffff;
	v2 =	vand.u32 $0xFFFF0000, v12;
	v12 =	vadd.s32 $0x618, v10;
	[dreg:$0x6] =	wrdreg s16  }
0x136: {  	s11 =	sor.u32 s11, s4;
	s1 =	simm.s32 $0x20;
	s17 =	sor.u32 s28, s18;
	v16 =	vld.idx.msk [tilespmem:v6+s3+$0x0], $0xffff;
	[tilespmem:s14+$0x0] =	vst v2;
	v2 =	vshll.u32 v14, $0x10  }
0x137: {  	v18 =	vadd.s32 $0x820, v0;
	s20 =	simm.s32 $0x4;
	s13 =	sor.u32 s23, s7;
	s18 =	sor.u32 s10, s4;
	v17 =	vld.idx.msk [tilespmem:v1+s3+$0x0], $0xffff;
	v1 =	vand.u32 $0xFFFF0000, v14;
	v14 =	vand.u32 $0xFFFF0000, v3;
	[tilespmem:s17+$0x0] =	vst v2  }
0x138: {  	s10 =	sor.u32 s15, s4;
	s21 =	sor.u32 s28, s12;
	v7 =	vadd.s32 $0x820, v4;
	s22 =	sadd.s32 $0x14C80, s24;
	v5 =	vadd.s32 $0x820, v10;
	v6 =	vadd.s32 $0x820, v8;
	[tilespmem:s18+$0x0] =	vst v14;
	v13 =	vld.idx.msk [tilespmem:v13+s3+$0x0], $0xffff  }
0x139: {  	s15 =	simm.s32 $0x80;
	s30 =	sor.u32 s25, s22;
	v3 =	vadd.s32 $0xA28, v4;
	s14 =	sadd.s32 $0x15C80, s24;
	v2 =	vadd.s32 $0xA28, v8;
	v8 =	vshll.u32 v11, $0x10;
	[tilespmem:s21+$0x0] =	vst v1  }
0x13a: {  	s4 =	sor.u32 s26, s22;
	s29 =	sor.u32 s23, s22;
	v4 =	vshll.u32 v9, $0x10;
	v9 =	vand.u32 $0xFFFF0000, v11;
	s31 =	sor.u32 s25, s14;
	v1 =	vadd.s32 $0xA28, v10;
	[tilespmem:s30+$0x0] =	vst v8;
	v14 =	vld.idx.msk [tilespmem:v12+s3+$0x0], $0xffff  }
0x13b: {  	s9 =	sor.u32 s25, s7;
	s6 =	sor.u32 s23, s14;
	s17 =	sor.u32 s26, s14;
	v11 =	vshll.u32 v15, $0x10;
	v8 =	vand.u32 $0xFFFF0000, v15;
	[tilespmem:s31+$0x0] =	vst v9;
	v12 =	vshll.u32 v16, $0x10  }
0x13c: {  	s0 =	sor.u32 s28, s14;
	s18 =	simm.s32 $0x400;
	s21 =	sor.u32 s28, s22;
	v10 =	vshll.u32 v17, $0x10;
	v9 =	vand.u32 $0xFFFF0000, v17;
	v15 =	vand.u32 $0xFFFF0000, v16;
	[tilespmem:s29+$0x0] =	vst v12;
	v12 =	vld.idx.msk [tilespmem:v18+s3+$0x0], $0xffff  }
.LBB2_9:
0x13d: {  	s16 =	sand.u32 $0x40, s15;
	s12 =	sand.u32 $0xC00, s18;
	s14 =	sand.u32 $0x380, s1;
	[tilespmem:s6+$0x0] =	vst v15;
	v15 =	vshll.u32 v13, $0x10  }
0x13e: {  	s14 =	sor.u32 s14, s12;
	s29 =	sor.u32 $0x30, s16;
	v13 =	vand.u32 $0xFFFF0000, v13;
	[tilespmem:s4+$0x0] =	vst v15  }
0x13f: {  	v7 =	vld.idx.msk [tilespmem:v7+s3+$0x0], $0xffff;
	s12 =	sor.u32 s29, s14;
	[tilespmem:s17+$0x0] =	vst v13;
	v13 =	vshll.u32 v14, $0x10  }
0x140: {  	s31 =	sor.u32 $0x10, s16;
	s4 =	sor.u32 s16, s14;
	[tilespmem:s21+$0x0] =	vst v13;
	v13 =	vadd.s32 $0xA28, v0;
	v0 =	vld [tilespmem:s12+$0x1C80]  }
0x141: {  	s30 =	sor.u32 $0x20, s16;
	s6 =	sor.u32 s31, s14;
	v14 =	vand.u32 $0xFFFF0000, v14;
	v15 =	vld [tilespmem:s4+$0x1C80]  }
0x142: {  	s17 =	sor.u32 s30, s14;
	[tilespmem:s0+$0x0] =	vst v14;
	v19 =	vld [tilespmem:s6+$0x1C80]  }
0x143: {  	[tilespmem:s19+$0x0] =	vst v11;
	v11 =	vld [tilespmem:s17+$0x1C80]  }
0x144: {  	[dreg:$0xe] =	wrdreg s13;
	s13 =	sadd.s32 $0x18C80, s14;
	s21 =	sadd.s32 $0x16C80, s24;
	v20 =	vld.idx.msk [tilespmem:v6+s3+$0x0], $0xffff;
	[tilespmem:s11+$0x0] =	vst v8  }
0x145: {  	s2 =	sor.u32 s16, s13;
	v14 =	vshll.u32 v12, $0x10;
	s8 =	sor.u32 s25, s21;
	v23 =	vld.idx.msk [tilespmem:v5+s3+$0x0], $0xffff;
	[tilespmem:s10+$0x0] =	vst v9  }
0x146: {  	s22 =	sadd.s32 $0x17C80, s24;
	[dreg:$0xc] =	wrdreg s2;
	s19 =	sor.u32 s23, s21;
	[tilespmem:s8+$0x0] =	vst v14;
	v14 =	vshll.u32 v7, $0x10  }
0x147: {  	s5 =	sor.u32 s25, s22;
	s7 =	sor.u32 s23, s22;
	s11 =	rddreg [dreg:$0xa];
	v7 =	vand.u32 $0xFFFF0000, v7;
	[tilespmem:s19+$0x0] =	vst v14  }
0x148: {  	s2 =	sor.u32 s31, s13;
	v12 =	vand.u32 $0xFFFF0000, v12;
	s10 =	sadd.s32 $0x19C80, s24;
	[tilespmem:s7+$0x0] =	vst v7;
	s7 =	rddreg [dreg:$0x4]  }
0x149: {  	[tilespmem:s5+$0x0] =	vst v12;
	s24 =	rddreg [dreg:$0x8];
	s19 =	smov.u32 s7;
	s7 =	smov.u32 s2;
	v25 =	vld.idx.msk [tilespmem:v3+s3+$0x0], $0xffff  }
0x14a: {  	v21 =	vld.idx.msk [tilespmem:v13+s3+$0x0], $0xffff;
	[dreg:$0x4] =	wrdreg s7  }
0x14b: {  	[tilespmem:s11+$0x0] =	vst v10;
	v22 =	vadd.s32 $0x208, v15;
	v17 =	vadd.s32 $0x410, v15;
	v13 =	vadd.s32 $0x618, v15;
	s7 =	rddreg [dreg:$0x6];
	v8 =	vld.idx.msk [tilespmem:v0+s3+$0x0], $0xffff  }
0x14c: {  	s5 =	sor.u32 s30, s13;
	s8 =	sor.u32 s26, s21;
	v7 =	vadd.s32 $0x820, v15;
	v3 =	vadd.s32 $0xA28, v15;
	s11 =	smov.u32 s7;
	v10 =	vld.idx.msk [tilespmem:v15+s3+$0x0], $0xffff;
	v15 =	vshll.u32 v20, $0x10;
	[tilespmem:s24+$0x0] =	vst v4  }
0x14d: {  	s0 =	sor.u32 s26, s22;
	v26 =	vadd.s32 $0x208, v11;
	v16 =	vadd.s32 $0x410, v11;
	s7 =	smov.u32 s5;
	[dreg:$0xa] =	wrdreg s11;
	v9 =	vld.idx.msk [tilespmem:v19+s3+$0x0], $0xffff;
	v20 =	vand.u32 $0xFFFF0000, v20;
	[tilespmem:s8+$0x0] =	vst v15  }
0x14e: {  	s21 =	sor.u32 s28, s21;
	v12 =	vadd.s32 $0x618, v11;
	v5 =	vadd.s32 $0x820, v11;
	v29 =	vshll.u32 v23, $0x10;
	[dreg:$0x6] =	wrdreg s7;
	s7 =	smov.u32 s9;
	[tilespmem:s0+$0x0] =	vst v20  }
0x14f: {  	v28 =	vadd.s32 $0xA28, v11;
	s9 =	sor.u32 s25, s10;
	s25 =	smov.u32 s29;
	s24 =	smov.u32 s14;
	v27 =	vld.idx.msk [tilespmem:v11+s3+$0x0], $0xffff;
	v11 =	vadd.s32 $0x208, v0;
	[tilespmem:s21+$0x0] =	vst v29;
	v4 =	vand.u32 $0xFFFF0000, v21  }
0x150: {  	s14 =	sor.u32 s23, s10;
	s23 =	smov.u32 s16;
	s16 =	sadd.s32 $0xFC80, s24;
	[tilespmem:s9+$0x0] =	vst v4;
	v48 =	vshll.u32 v8, $0x10  }
0x151: {  	s11 =	sor.u32 s26, s10;
	s26 =	smov.u32 s31;
	s31 =	sor.u32 s25, s16;
	v8 =	vand.u32 $0xFFFF0000, v8;
	[tilespmem:s12+$0xEC80] =	vst v48  }
0x152: {  	v50 =	vshll.u32 v10, $0x10;
	[tilespmem:s31+$0x0] =	vst v8  }
0x153: {  	s13 =	sor.u32 s29, s13;
	v24 =	vadd.s32 $0x208, v19;
	s29 =	sor.u32 s23, s16;
	v10 =	vand.u32 $0xFFFF0000, v10;
	[tilespmem:s4+$0xEC80] =	vst v50  }
0x154: {  	s22 =	sor.u32 s28, s22;
	v51 =	vshll.u32 v9, $0x10;
	[tilespmem:s29+$0x0] =	vst v10;
	v54 =	vld.idx.msk [tilespmem:v11+s3+$0x0], $0xffff  }
0x155: {  	s10 =	sor.u32 s28, s10;
	s28 =	smov.u32 s30;
	v49 =	vld.idx.msk [tilespmem:v2+s3+$0x0], $0xffff;
	s30 =	sor.u32 s26, s16;
	v9 =	vand.u32 $0xFFFF0000, v9;
	[tilespmem:s6+$0xEC80] =	vst v51  }
0x156: {  	v52 =	vshll.u32 v27, $0x10;
	[tilespmem:s30+$0x0] =	vst v9;
	v10 =	vld.idx.msk [tilespmem:v22+s3+$0x0], $0xffff  }
0x157: {  	s0 =	sor.u32 s28, s16;
	v53 =	vand.u32 $0xFFFF0000, v27;
	[tilespmem:s17+$0xEC80] =	vst v52  }
0x158: {  	v55 =	vadd.s32 $0x410, v0;
	v23 =	vand.u32 $0xFFFF0000, v23;
	s6 =	sadd.s32 $0x10C80, s24;
	v9 =	vld.idx.msk [tilespmem:v24+s3+$0x0], $0xffff;
	[tilespmem:s0+$0x0] =	vst v53  }
0x159: {  	s8 =	sadd.s32 $0x11C80, s24;
	s12 =	sor.u32 s25, s6;
	v56 =	vld.idx.msk [tilespmem:v26+s3+$0x0], $0xffff;
	[tilespmem:s22+$0x0] =	vst v23;
	v57 =	vshll.u32 v54, $0x10  }
0x15a: {  	s17 =	sor.u32 s25, s8;
	v58 =	vand.u32 $0xFFFF0000, v54;
	[tilespmem:s12+$0x0] =	vst v57  }
0x15b: {  	v18 =	vadd.s32 $0x410, v19;
	v14 =	vadd.s32 $0x618, v19;
	[dreg:$0x8] =	wrdreg s7;
	s7 =	sor.u32 s23, s6;
	v60 =	vshll.u32 v10, $0x10;
	[tilespmem:s17+$0x0] =	vst v58  }
0x15c: {  	v6 =	vadd.s32 $0x820, v19;
	v19 =	vadd.s32 $0xA28, v19;
	s9 =	smov.u32 s13;
	s13 =	sor.u32 s23, s8;
	v10 =	vand.u32 $0xFFFF0000, v10;
	[tilespmem:s7+$0x0] =	vst v60  }
0x15d: {  	v2 =	vmov v19;
	s16 =	sor.u32 s26, s6;
	[tilespmem:s13+$0x0] =	vst v10;
	v10 =	vshll.u32 v9, $0x10;
	v19 =	vld.idx.msk [tilespmem:v55+s3+$0x0], $0xffff  }
0x15e: {  	s21 =	sor.u32 s26, s8;
	v9 =	vand.u32 $0xFFFF0000, v9;
	[tilespmem:s16+$0x0] =	vst v10  }
0x15f: {  	s4 =	sor.u32 s28, s8;
	v20 =	vand.u32 $0xFFFF0000, v56;
	v17 =	vld.idx.msk [tilespmem:v17+s3+$0x0], $0xffff;
	[tilespmem:s21+$0x0] =	vst v9  }
0x160: {  	v30 =	vshll.u32 v25, $0x10;
	v59 =	vld.idx.msk [tilespmem:v1+s3+$0x0], $0xffff;
	s7 =	rddreg [dreg:$0xe];
	[tilespmem:s4+$0x0] =	vst v20  }
0x161: {  	v61 =	vadd.s32 $0x618, v0;
	s2 =	sor.u32 s28, s6;
	s22 =	sadd.s32 $0x12C80, s24;
	v9 =	vshll.u32 v56, $0x10;
	[tilespmem:s7+$0x0] =	vst v30;
	v18 =	vld.idx.msk [tilespmem:v18+s3+$0x0], $0xffff  }
0x162: {  	s30 =	sadd.s32 $0x13C80, s24;
	s31 =	sor.u32 s25, s22;
	[tilespmem:s2+$0x0] =	vst v9;
	v62 =	vshll.u32 v19, $0x10  }
0x163: {  	s13 =	sor.u32 s25, s30;
	v16 =	vld.idx.msk [tilespmem:v16+s3+$0x0], $0xffff;
	v19 =	vand.u32 $0xFFFF0000, v19;
	[tilespmem:s31+$0x0] =	vst v62  }
0x164: {  	s29 =	sor.u32 s23, s22;
	v63 =	vshll.u32 v17, $0x10;
	[tilespmem:s13+$0x0] =	vst v19  }
0x165: {  	s8 =	sor.u32 s23, s30;
	v17 =	vand.u32 $0xFFFF0000, v17;
	[tilespmem:s29+$0x0] =	vst v63  }
0x166: {  	s12 =	sor.u32 s26, s22;
	[tilespmem:s8+$0x0] =	vst v17;
	v17 =	vshll.u32 v18, $0x10;
	v19 =	vld.idx.msk [tilespmem:v61+s3+$0x0], $0xffff  }
0x167: {  	s16 =	sor.u32 s26, s30;
	v18 =	vand.u32 $0xFFFF0000, v18;
	[tilespmem:s12+$0x0] =	vst v17  }
0x168: {  	s20 =	sadd.s32 $0x4, s20;
	s0 =	sor.u32 s28, s22;
	v20 =	vld.idx.msk [tilespmem:v13+s3+$0x0], $0xffff;
	[tilespmem:s16+$0x0] =	vst v18;
	v17 =	vshll.u32 v16, $0x10  }
0x169: {  	s15 =	sadd.s32 $0x40, s15;
	p0 =	slt.u32 s20, $0xFC;
	s4 =	sor.u32 s28, s30;
	v16 =	vand.u32 $0xFFFF0000, v16;
	[tilespmem:s0+$0x0] =	vst v17;
	v17 =	vadd.s32 $0x820, v0  }
.Ltmp4:
0x16a: {  	s18 =	sadd.s32 $0x200, s18;
	v15 =	vand.u32 $0xFFFF0000, v25;
	s21 =	sadd.s32 $0x14C80, s24;
	v13 =	vld.idx.msk [tilespmem:v14+s3+$0x0], $0xffff;
	[tilespmem:s4+$0x0] =	vst v16;
	(pc) =	sbr.rel @p0 .LBB2_9-.Ltmp4, $4  }
0x16b: {  	s1 =	sadd.s32 $0x10, s1;
	s30 =	sor.u32 s25, s21;
	s29 =	sadd.s32 $0x15C80, s24;
	[tilespmem:s14+$0x0] =	vst v15;
	v14 =	vld.idx.msk [tilespmem:v12+s3+$0x0], $0xffff;
	v12 =	vshll.u32 v19, $0x10  }
0x16c: {  	v4 =	vshll.u32 v21, $0x10;
	s17 =	rddreg [dreg:$0xc];
	s22 =	sor.u32 s23, s21;
	s31 =	sor.u32 s25, s29;
	v16 =	vand.u32 $0xFFFF0000, v19;
	[tilespmem:s30+$0x0] =	vst v12  }
0x16d: {  	v11 =	vshll.u32 v49, $0x10;
	v8 =	vand.u32 $0xFFFF0000, v49;
	s13 =	smov.u32 s17;
	s6 =	sor.u32 s23, s29;
	s17 =	sor.u32 s26, s29;
	v12 =	vshll.u32 v20, $0x10;
	[tilespmem:s31+$0x0] =	vst v16  }
0x16e: {  	v1 =	vmovc v28;
	v10 =	vshll.u32 v59, $0x10;
	v9 =	vand.u32 $0xFFFF0000, v59;
	s4 =	sor.u32 s26, s21;
	s21 =	sor.u32 s28, s21;
	s0 =	sor.u32 s28, s29;
	v15 =	vand.u32 $0xFFFF0000, v20;
	[tilespmem:s22+$0x0] =	vst v12;
	v12 =	vld.idx.msk [tilespmem:v17+s3+$0x0], $0xffff  }
0x16f: {  	_ = 	snop  }
0x170: {  	[tilespmem:s6+$0x0] =	vst v15  }
0x171: {  	v51 =	vshll.u32 v13, $0x10;
	[tilespmem:s19+$0x0] =	vst v11  }
0x172: {  	[tilespmem:s4+$0x0] =	vst v51  }
0x173: {  	v52 =	vand.u32 $0xFFFF0000, v13;
	v7 =	vld.idx.msk [tilespmem:v7+s3+$0x0], $0xffff;
	[tilespmem:s11+$0x0] =	vst v8  }
0x174: {  	v53 =	vshll.u32 v14, $0x10;
	[tilespmem:s17+$0x0] =	vst v52  }
0x175: {  	s1 =	sadd.s32 $0x16C80, s24;
	v54 =	vand.u32 $0xFFFF0000, v14;
	[tilespmem:s21+$0x0] =	vst v53;
	v6 =	vld.idx.msk [tilespmem:v6+s3+$0x0], $0xffff  }
0x176: {  	s16 =	sadd.s32 $0x17C80, s24;
	s2 =	sor.u32 s25, s1;
	[tilespmem:s0+$0x0] =	vst v54;
	v55 =	vshll.u32 v12, $0x10  }
0x177: {  	s17 =	sor.u32 s25, s16;
	v56 =	vand.u32 $0xFFFF0000, v12;
	[tilespmem:s2+$0x0] =	vst v55  }
0x178: {  	v0 =	vadd.s32 $0xA28, v0;
	s18 =	sor.u32 s23, s1;
	v5 =	vld.idx.msk [tilespmem:v5+s3+$0x0], $0xffff;
	[tilespmem:s17+$0x0] =	vst v56;
	v57 =	vshll.u32 v7, $0x10  }
0x179: {  	s19 =	sor.u32 s23, s16;
	v7 =	vand.u32 $0xFFFF0000, v7;
	[tilespmem:s18+$0x0] =	vst v57  }
0x17a: {  	s20 =	sor.u32 s26, s1;
	[tilespmem:s19+$0x0] =	vst v7;
	v58 =	vshll.u32 v6, $0x10  }
0x17b: {  	s2 =	rddreg [dreg:$0xa];
	[tilespmem:s20+$0x0] =	vst v58  }
0x17c: {  	s21 =	sor.u32 s26, s16;
	v6 =	vand.u32 $0xFFFF0000, v6;
	[tilespmem:s2+$0x0] =	vst v10  }
0x17d: {  	s1 =	sor.u32 s28, s1;
	v0 =	vld.idx.msk [tilespmem:v0+s3+$0x0], $0xffff;
	v59 =	vshll.u32 v5, $0x10;
	[tilespmem:s21+$0x0] =	vst v6  }
0x17e: {  	v3 =	vld.idx.msk [tilespmem:v3+s3+$0x0], $0xffff;
	[tilespmem:s1+$0x0] =	vst v59  }
0x17f: {  	s0 =	sor.u32 s28, s16;
	v5 =	vand.u32 $0xFFFF0000, v5;
	[tilespmem:s10+$0x0] =	vst v9  }
0x180: {  	[tilespmem:s0+$0x0] =	vst v5  }
0x181: {  	s22 =	sadd.s32 $0x19C80, s24;
	v2 =	vld.idx.msk [tilespmem:v2+s3+$0x0], $0xffff;
	s1 =	rddreg [dreg:$0x8]  }
0x182: {  	s24 =	sor.u32 s25, s22;
	v60 =	vand.u32 $0xFFFF0000, v0;
	[tilespmem:s1+$0x0] =	vst v4  }
0x183: {  	[tilespmem:s24+$0x0] =	vst v60;
	v61 =	vshll.u32 v3, $0x10  }
0x184: {  	s25 =	sor.u32 s23, s22;
	v1 =	vld.idx.msk [tilespmem:v1+s3+$0x0], $0xffff;
	v3 =	vand.u32 $0xFFFF0000, v3;
	[tilespmem:s13+$0x0] =	vst v61  }
0x185: {  	[tilespmem:s25+$0x0] =	vst v3  }
0x186: {  	v62 =	vshll.u32 v2, $0x10;
	s1 =	rddreg [dreg:$0x4]  }
0x187: {  	s26 =	sor.u32 s26, s22;
	v2 =	vand.u32 $0xFFFF0000, v2;
	[tilespmem:s1+$0x0] =	vst v62  }
0x188: {  	v0 =	vshll.u32 v0, $0x10;
	[tilespmem:s26+$0x0] =	vst v2  }
0x189: {  	v63 =	vshll.u32 v1, $0x10;
	s1 =	rddreg [dreg:$0x6];
	[tilespmem:s9+$0x0] =	vst v0  }
0x18a: {  	s0 =	sor.u32 s28, s22;
	v1 =	vand.u32 $0xFFFF0000, v1;
	[tilespmem:s1+$0x0] =	vst v63  }
0x18b: {  	[tilespmem:s0+$0x0] =	vst v1  }
0x18c: {  	s14 =	rddreg [dreg:$0x15]  }
0x18d: {  	s14 =	sadd.s32 $0x1, s14  }
0x18e: {  	p0 =	sne.s32 s14, $0x10  }
.Ltmp5:
0x18f: {  	_ = 	snop;
	(pc) =	sbr.rel @p0 .LBB2_2-.Ltmp5, $4  }
0x190: {  	s28 =	rddreg [dreg:$0x1]  }
0x191: {  	s29 =	simm.s32 $0x1000;
	s1 =	rddreg [dreg:$0x16]  }
0x192: {  	s30 =	simm.s32 $0x400000;
	s31 =	simm.s32 $0xEC80;
	s0 =	sadd.s32 s28, s1  }
0x193: {  	[hbm4b:s0+s29] =	stream.strided.scatter [tilespmem:s31], [sflag:$0x4], $0xC000, s30, s29, $0x38;
	[tilespmem:$0x1AC80] =	vst v63  }
0x194: {  	s0 =	simm.s32 $0x3  }
0x195: {  	_ =	swait.ge [sflag:s0], $0xC000  }
0x196: {  	[sflag:s0] =	ssyncset.done $0x0  }
0x197: {  	s1 =	simm.s32 $0x4;
	[sflag:s0] =	ssyncadd.s32 $0xFFFF4000  }
0x198: {  	_ =	swait.ge [sflag:s1], $0xC000  }
0x199: {  	s2 =	rddreg [dreg:$0x14]  }
0x19a: {  	s31 =	rddreg [dreg:$0x13];
	s2 =	sadd.s32 $0x1, s2  }
0x19b: {  	p0 =	sne.s32 s2, s31  }
.Ltmp6:
0x19c: {  	_ = 	snop;
	(pc) =	sbr.rel @p0 .LBB2_1-.Ltmp6, $3  }
0x19d: {  	_ =	sdelay $0x1  }
0x19e: {  	[sflag:s1] =	ssyncset.done $0x0  }
0x19f: {  	[sflag:s1] =	ssyncadd.s32 $0xFFFF4000  }
0x1a0: {  	_ =	sfence.sel $0x180000  }
0x1a1: {  	[bflag:$0x0] =	sbarrier.arrive $0xFFFF  }
0x1a2: {  	_ =	strace $0x90000047  }
0x1a3: {  	s0 =	stileid.u32;
	[bflag:$0x2] =	sbarrier.arrive $0xFFFF  }
0x1a4: {  	p0 =	sne.s32 s0, $0x0;
	s0 =	rddreg [dreg:$0x2]  }
0x1a5: {  	s0 =	sadd.s32 @!p0 $0x100000, s0  }
0x1a6: {  	[sflag:s0] =	ssyncadd.tile.s32 @!p0 $0x1;
	_ =	shalt  }
.Lfunc_end2:
_tile_overlayer_lowered:
.L_overlay_start_2:
0x1a7: {  	(tag) =	ssettag $0x2  }
0x1a8: {  	s0 =	rddreg [dreg:$0x0];
	s2 =	stileid.u32  }
0x1a9: {  	s1 =	rddreg [dreg:$0x1];
	p0 =	sne.s32 s2, $0x0  }
0x1aa: {  	s3 =	rddreg [dreg:$0x2];
	[bflag:$0x3] =	sbarrier.arrive $0xFFFF;
	s2 =	simm.s32 @!p0 $0x1C05  }
0x1ab: {  	[timem:s3], [sflag:s2] =	dma.local @!p0 [hbm:s0], s1  }
0x1ac: {  	s0 =	simm.s32 @!p0 $0x5  }
0x1ad: {  	_ =	swait.ge @!p0 [sflag:s0], s1  }
0x1ae: {  	s1 =	ssub.s32 @!p0 $0x0, s1;
	[sflag:s0] =	ssyncset.done @!p0 $0x0  }
0x1af: {  	[sflag:s0] =	ssyncadd.s32 @!p0 s1  }
0x1b0: {  	[bflag:$0x3] =	sbarrier.arrive $0xFFFF  }
0x1b1: {  	_ =	shalt  }

</sc_bundles>
